<compile_context>
chip_gen: v7x
topology: tpu7x:2x2x1
jax: 0.10.2.dev20260603
libtpu: 0.0.44.dev20260713+nightly
codegen_flags: <defaults>
</compile_context>

<pallas_src>
import functools

import jax
import jax.numpy as jnp
from jax import lax
from jax.experimental import pallas as pl
from jax.experimental.pallas import tpu as pltpu
from jax.experimental.pallas import tpu_sc as plsc

B, L, D = 4096, 200, 64
DP = 128
N = B * L
C = 128
NBUF = 2
LANES = 16


def _sc_body(g_per_w, item_idx, test_idx, tag_idx,
             item_tab, test_tab, tag_tab, pos_tab, out,
             idx_v, rows_v, stage_v, pos_v,
             isem0, isem1, gsem0, gsem1, osem):
    nc = plsc.get_sparse_core_info().num_cores
    wid = lax.axis_index("s") * nc + lax.axis_index("c")
    row0 = wid * g_per_w
    isems = (isem0, isem1)
    gsems = (gsem0, gsem1)
    idx_hbms = (item_idx, test_idx, tag_idx)
    tabs = (item_tab, test_tab, tag_tab)

    pltpu.sync_copy(pos_tab, pos_v)

    def islot(b, t):
        return pl.ds((b * 3 + t) * C, C)

    def issue_idx(g, b):
        base = (row0 + g) * C
        for t in range(3):
            pltpu.async_copy(idx_hbms[t].at[pl.ds(base, C)],
                             idx_v.at[islot(b, t)], isems[b])

    def wait_idx(b):
        for t in range(3):
            pltpu.make_async_copy(idx_hbms[t].at[pl.ds(0, C)],
                                  idx_v.at[islot(b, t)], isems[b]).wait()

    def issue_gathers(b):
        for t in range(3):
            pltpu.async_copy(tabs[t].at[idx_v.at[islot(b, t)]],
                             rows_v.at[b, t], gsems[b])

    def wait_gathers(b):
        for t in range(3):
            pltpu.make_async_copy(tabs[t].at[idx_v.at[islot(b, t)]],
                                  rows_v.at[b, t], gsems[b]).wait()

    def issue_out(g):
        base = (row0 + g) * C
        pltpu.async_copy(stage_v, out.at[pl.ds(base, C)], osem)

    def wait_out():
        pltpu.make_async_copy(stage_v, out.at[pl.ds(0, C)], osem).wait()

    def compute(g, b):
        ita = rows_v.at[b, 0]
        tst = rows_v.at[b, 1]
        tag = rows_v.at[b, 2]
        pbase = lax.rem((row0 + g) * C, L)

        def row(i, p):
            for q in range(D // LANES):
                sl = pl.ds(q * LANES, LANES)
                pv = pos_v[pl.ds(p * D + q * LANES, LANES)]
                stage_v[i, sl] = (ita[i, sl] + tst[i, sl] + tag[i, sl]
                                  + pv) * 0.25
            p = p + 1
            return lax.select(p == L, 0, p)

        lax.fori_loop(0, C, row, pbase, unroll=2)

    issue_idx(0, 0)
    issue_idx(1, 1)
    wait_idx(0)
    issue_gathers(0)

    def step(m, carry):
        for j in range(NBUF):
            g = m * NBUF + j
            nb = (j + 1) % NBUF
            wait_gathers(j)

            @pl.when(g + 2 < g_per_w)
            def _():
                issue_idx(g + 2, j)

            @pl.when(g + 1 < g_per_w)
            def _():
                wait_idx(nb)
                issue_gathers(nb)

            @pl.when(g > 0)
            def _():
                wait_out()

            compute(g, j)
            issue_out(g)
        return carry

    lax.fori_loop(0, g_per_w // NBUF, step, 0, unroll=False)
    wait_out()


def kernel(item_idx, test_idx, tag_idx, item_table, test_table, tag_table,
           pos_table):
    info = plsc.get_sparse_core_info()
    nw = info.num_cores * info.num_subcores
    g_per_w = N // (C * nw)

    item2 = item_idx.astype(jnp.int32).reshape(N)
    test2 = test_idx.astype(jnp.int32).reshape(N)
    tag2 = tag_idx.astype(jnp.int32).reshape(N)
    pad = ((0, 0), (0, DP - D))
    itab = jnp.pad(item_table, pad)
    ttab = jnp.pad(test_table, pad)
    gtab = jnp.pad(tag_table, pad)
    pos1 = pos_table.reshape(L * D)

    mesh = plsc.VectorSubcoreMesh(core_axis_name="c", subcore_axis_name="s")
    run = functools.partial(
        pl.kernel,
        out_type=jax.ShapeDtypeStruct((N, D), jnp.float32),
        mesh=mesh,
        compiler_params=pltpu.CompilerParams(use_tc_tiling_on_sc=True),
        scratch_types=[
            pltpu.VMEM((NBUF * 3 * C,), jnp.int32),
            pltpu.VMEM((NBUF, 3, C, DP), jnp.float32),
            pltpu.VMEM((C, D), jnp.float32),
            pltpu.VMEM((L * D,), jnp.float32),
            pltpu.SemaphoreType.DMA,
            pltpu.SemaphoreType.DMA,
            pltpu.SemaphoreType.DMA,
            pltpu.SemaphoreType.DMA,
            pltpu.SemaphoreType.DMA,
        ],
    )(functools.partial(_sc_body, g_per_w))

    out = run(item2, test2, tag2, itab, ttab, gtab, pos1)
    return out.reshape(B, L, D)

# --- scband reference (transcript-rebuilt; emitter-appended) ---
"""Pipeline reference for scband-encoder-embedding-80410377715795 (READ-ONLY COPY).

The authoritative reference and input builder live on the scoring server;
editing this copy changes nothing except your own understanding.
"""

import jax, jax.numpy as jnp
import numpy as np

B, L, D = 4096, 200, 64
N_ITEMS, N_TESTS, N_TAGS, MAX_SEQ = 100000, 1000, 1000, 200

def setup_inputs(seed: int = 0) -> dict:
    key = jax.random.key(seed)
    ks = jax.random.split(key, 7)
    item_idx = jax.random.randint(ks[0], (B, L), 0, N_ITEMS + 1, dtype=jnp.int64 if jax.config.jax_enable_x64 else jnp.int32)
    test_idx = jax.random.randint(ks[1], (B, L), 0, N_TESTS + 1, dtype=item_idx.dtype)
    tag_idx = jax.random.randint(ks[2], (B, L), 0, N_TAGS + 1, dtype=item_idx.dtype)
    item_table = jax.random.normal(ks[3], (N_ITEMS + 1, D), dtype=jnp.float32)
    item_table = item_table.at[0].set(0.0)  # padding_idx=0
    test_table = jax.random.normal(ks[4], (N_TESTS + 1, D), dtype=jnp.float32)
    test_table = test_table.at[0].set(0.0)
    tag_table = jax.random.normal(ks[5], (N_TAGS + 1, D), dtype=jnp.float32)
    tag_table = tag_table.at[0].set(0.0)
    pos_table = jax.random.normal(ks[6], (MAX_SEQ, D), dtype=jnp.float32)
    return {
        'item_idx': item_idx,
        'test_idx': test_idx,
        'tag_idx': tag_idx,
        'item_table': item_table,
        'test_table': test_table,
        'tag_table': tag_table,
        'pos_table': pos_table,
    }

def reference(item_idx, test_idx, tag_idx, item_table, test_table, tag_table, pos_table):
    item_emb = jnp.take(item_table, item_idx, axis=0)   # [B, L, D]
    test_emb = jnp.take(test_table, test_idx, axis=0)   # [B, L, D]
    tag_emb = jnp.take(tag_table, tag_idx, axis=0)      # [B, L, D]
    pos = jnp.arange(MAX_SEQ)[None, :]                  # [1, L]
    pos_emb = jnp.take(pos_table, pos, axis=0)          # [1, L, D]
    enc_emb = (item_emb + test_emb + tag_emb + pos_emb) / 4
    return enc_emb

if __name__ == "__main__":
    import jax
    _d = setup_inputs()
    print(jax.jit(kernel)(*tuple(_d.values())))

</pallas_src>

<mosaic_0001>
#map = affine_map<(d0, d1) -> (0)>
#map1 = affine_map<(d0, d1) -> (0, 0)>
module attributes {stable_mosaic.version = 14 : i64} {
  func.func @_sc_body(%arg0: i32, %arg1: i32, %arg2: memref<819200xi32, #tpu.memory_space<hbm>>, %arg3: memref<819200xi32, #tpu.memory_space<hbm>>, %arg4: memref<819200xi32, #tpu.memory_space<hbm>>, %arg5: memref<100001x128xf32, #tpu.memory_space<hbm>>, %arg6: memref<1001x128xf32, #tpu.memory_space<hbm>>, %arg7: memref<1001x128xf32, #tpu.memory_space<hbm>>, %arg8: memref<12800xf32, #tpu.memory_space<hbm>>, %arg9: memref<819200x64xf32, #tpu.memory_space<hbm>>, %arg10: memref<768xi32, #tpu.memory_space<vmem>>, %arg11: memref<2x3x128x128xf32, #tpu.memory_space<vmem>>, %arg12: memref<128x64xf32, #tpu.memory_space<vmem>>, %arg13: memref<12800xf32, #tpu.memory_space<vmem>>, %arg14: memref<!tpu.dma_semaphore, #tpu.memory_space<semaphore_mem>>, %arg15: memref<!tpu.dma_semaphore, #tpu.memory_space<semaphore_mem>>, %arg16: memref<!tpu.dma_semaphore, #tpu.memory_space<semaphore_mem>>, %arg17: memref<!tpu.dma_semaphore, #tpu.memory_space<semaphore_mem>>, %arg18: memref<!tpu.dma_semaphore, #tpu.memory_space<semaphore_mem>>) attributes {dimension_semantics = [#tpu.dimension_semantics<core_parallel>, #tpu.dimension_semantics<subcore_parallel>], iteration_bounds = array<i64: 2, 16>, scalar_prefetch = 0 : i64, scratch_operands = 9 : i64, tpu.core_type = #tpu.core_type<sc_vector_subcore>, window_params = [{transform_indices = #map}, {transform_indices = #map}, {transform_indices = #map}, {transform_indices = #map1}, {transform_indices = #map1}, {transform_indices = #map1}, {transform_indices = #map}, {transform_indices = #map1}]} {
    %mul3A = arith.constant 2 : i32
    %mul3A_0 = arith.muli %arg1, %mul3A : i32
    %add3A = arith.addi %mul3A_0, %arg0 : i32
    %mul3A_1 = arith.constant 200 : i32
    %mul3A_2 = arith.muli %add3A, %mul3A_1 : i32
    "tpu.region"() ({
      %run_scoped3A = tpu.sem_alloc : memref<!tpu.dma_semaphore, #tpu.memory_space<semaphore_mem>>
      tpu.enqueue_dma source(%arg8 : memref<12800xf32, #tpu.memory_space<hbm>>) target(%arg13 : memref<12800xf32, #tpu.memory_space<vmem>>) target_semaphore(%run_scoped3A : memref<!tpu.dma_semaphore, #tpu.memory_space<semaphore_mem>>)
      tpu.wait_dma2 semaphore(%run_scoped3A : memref<!tpu.dma_semaphore, #tpu.memory_space<semaphore_mem>>) src(%arg8 : memref<12800xf32, #tpu.memory_space<hbm>>) dst(%arg13 : memref<12800xf32, #tpu.memory_space<vmem>>)
      tpu.yield
    }) : () -> ()
    %add3A_3 = arith.constant 0 : i32
    %add3A_4 = arith.addi %mul3A_2, %add3A_3 : i32
    %mul3A_5 = arith.constant 128 : i32
    %mul3A_6 = arith.muli %add3A_4, %mul3A_5 : i32
    %dma_start3A = arith.constant 0 : i32
    %dma_start3A_7 = tpu.memref_slice %arg10[%dma_start3A] : memref<768xi32, #tpu.memory_space<vmem>> -> memref<128xi32, #tpu.memory_space<vmem>>
    %dma_start3A_8 = tpu.memref_slice %arg2[%mul3A_6] : memref<819200xi32, #tpu.memory_space<hbm>> -> memref<128xi32, #tpu.memory_space<hbm>>
    %dma_start3A_9 = arith.constant 0 : i32
    %dma_start3A_10 = tpu.memref_slice %arg10[%dma_start3A_9] : memref<768xi32, #tpu.memory_space<vmem>> -> memref<128xi32, #tpu.memory_space<vmem>>
    %dma_start3A_11 = tpu.memref_slice %arg2[%mul3A_6] : memref<819200xi32, #tpu.memory_space<hbm>> -> memref<128xi32, #tpu.memory_space<hbm>>
    tpu.enqueue_dma source(%dma_start3A_11 : memref<128xi32, #tpu.memory_space<hbm>>) target(%dma_start3A_10 : memref<128xi32, #tpu.memory_space<vmem>>) target_semaphore(%arg14 : memref<!tpu.dma_semaphore, #tpu.memory_space<semaphore_mem>>)
    %dma_start3A_12 = arith.constant 128 : i32
    %dma_start3A_13 = tpu.memref_slice %arg10[%dma_start3A_12] : memref<768xi32, #tpu.memory_space<vmem>> -> memref<128xi32, #tpu.memory_space<vmem>>
    %dma_start3A_14 = tpu.memref_slice %arg3[%mul3A_6] : memref<819200xi32, #tpu.memory_space<hbm>> -> memref<128xi32, #tpu.memory_space<hbm>>
    %dma_start3A_15 = arith.constant 128 : i32
    %dma_start3A_16 = tpu.memref_slice %arg10[%dma_start3A_15] : memref<768xi32, #tpu.memory_space<vmem>> -> memref<128xi32, #tpu.memory_space<vmem>>
    %dma_start3A_17 = tpu.memref_slice %arg3[%mul3A_6] : memref<819200xi32, #tpu.memory_space<hbm>> -> memref<128xi32, #tpu.memory_space<hbm>>
    tpu.enqueue_dma source(%dma_start3A_17 : memref<128xi32, #tpu.memory_space<hbm>>) target(%dma_start3A_16 : memref<128xi32, #tpu.memory_space<vmem>>) target_semaphore(%arg14 : memref<!tpu.dma_semaphore, #tpu.memory_space<semaphore_mem>>)
    %dma_start3A_18 = arith.constant 256 : i32
    %dma_start3A_19 = tpu.memref_slice %arg10[%dma_start3A_18] : memref<768xi32, #tpu.memory_space<vmem>> -> memref<128xi32, #tpu.memory_space<vmem>>
    %dma_start3A_20 = tpu.memref_slice %arg4[%mul3A_6] : memref<819200xi32, #tpu.memory_space<hbm>> -> memref<128xi32, #tpu.memory_space<hbm>>
    %dma_start3A_21 = arith.constant 256 : i32
    %dma_start3A_22 = tpu.memref_slice %arg10[%dma_start3A_21] : memref<768xi32, #tpu.memory_space<vmem>> -> memref<128xi32, #tpu.memory_space<vmem>>
    %dma_start3A_23 = tpu.memref_slice %arg4[%mul3A_6] : memref<819200xi32, #tpu.memory_space<hbm>> -> memref<128xi32, #tpu.memory_space<hbm>>
    tpu.enqueue_dma source(%dma_start3A_23 : memref<128xi32, #tpu.memory_space<hbm>>) target(%dma_start3A_22 : memref<128xi32, #tpu.memory_space<vmem>>) target_semaphore(%arg14 : memref<!tpu.dma_semaphore, #tpu.memory_space<semaphore_mem>>)
    %add3A_24 = arith.constant 1 : i32
    %add3A_25 = arith.addi %mul3A_2, %add3A_24 : i32
    %mul3A_26 = arith.constant 128 : i32
    %mul3A_27 = arith.muli %add3A_25, %mul3A_26 : i32
    %dma_start3A_28 = arith.constant 384 : i32
    %dma_start3A_29 = tpu.memref_slice %arg10[%dma_start3A_28] : memref<768xi32, #tpu.memory_space<vmem>> -> memref<128xi32, #tpu.memory_space<vmem>>
    %dma_start3A_30 = tpu.memref_slice %arg2[%mul3A_27] : memref<819200xi32, #tpu.memory_space<hbm>> -> memref<128xi32, #tpu.memory_space<hbm>>
    %dma_start3A_31 = arith.constant 384 : i32
    %dma_start3A_32 = tpu.memref_slice %arg10[%dma_start3A_31] : memref<768xi32, #tpu.memory_space<vmem>> -> memref<128xi32, #tpu.memory_space<vmem>>
    %dma_start3A_33 = tpu.memref_slice %arg2[%mul3A_27] : memref<819200xi32, #tpu.memory_space<hbm>> -> memref<128xi32, #tpu.memory_space<hbm>>
    tpu.enqueue_dma source(%dma_start3A_33 : memref<128xi32, #tpu.memory_space<hbm>>) target(%dma_start3A_32 : memref<128xi32, #tpu.memory_space<vmem>>) target_semaphore(%arg15 : memref<!tpu.dma_semaphore, #tpu.memory_space<semaphore_mem>>)
    %dma_start3A_34 = arith.constant 512 : i32
    %dma_start3A_35 = tpu.memref_slice %arg10[%dma_start3A_34] : memref<768xi32, #tpu.memory_space<vmem>> -> memref<128xi32, #tpu.memory_space<vmem>>
    %dma_start3A_36 = tpu.memref_slice %arg3[%mul3A_27] : memref<819200xi32, #tpu.memory_space<hbm>> -> memref<128xi32, #tpu.memory_space<hbm>>
    %dma_start3A_37 = arith.constant 512 : i32
    %dma_start3A_38 = tpu.memref_slice %arg10[%dma_start3A_37] : memref<768xi32, #tpu.memory_space<vmem>> -> memref<128xi32, #tpu.memory_space<vmem>>
    %dma_start3A_39 = tpu.memref_slice %arg3[%mul3A_27] : memref<819200xi32, #tpu.memory_space<hbm>> -> memref<128xi32, #tpu.memory_space<hbm>>
    tpu.enqueue_dma source(%dma_start3A_39 : memref<128xi32, #tpu.memory_space<hbm>>) target(%dma_start3A_38 : memref<128xi32, #tpu.memory_space<vmem>>) target_semaphore(%arg15 : memref<!tpu.dma_semaphore, #tpu.memory_space<semaphore_mem>>)
    %dma_start3A_40 = arith.constant 640 : i32
    %dma_start3A_41 = tpu.memref_slice %arg10[%dma_start3A_40] : memref<768xi32, #tpu.memory_space<vmem>> -> memref<128xi32, #tpu.memory_space<vmem>>
    %dma_start3A_42 = tpu.memref_slice %arg4[%mul3A_27] : memref<819200xi32, #tpu.memory_space<hbm>> -> memref<128xi32, #tpu.memory_space<hbm>>
    %dma_start3A_43 = arith.constant 640 : i32
    %dma_start3A_44 = tpu.memref_slice %arg10[%dma_start3A_43] : memref<768xi32, #tpu.memory_space<vmem>> -> memref<128xi32, #tpu.memory_space<vmem>>
    %dma_start3A_45 = tpu.memref_slice %arg4[%mul3A_27] : memref<819200xi32, #tpu.memory_space<hbm>> -> memref<128xi32, #tpu.memory_space<hbm>>
    tpu.enqueue_dma source(%dma_start3A_45 : memref<128xi32, #tpu.memory_space<hbm>>) target(%dma_start3A_44 : memref<128xi32, #tpu.memory_space<vmem>>) target_semaphore(%arg15 : memref<!tpu.dma_semaphore, #tpu.memory_space<semaphore_mem>>)
    %dma_wait3A = arith.constant 0 : i32
    %dma_wait3A_46 = tpu.memref_slice %arg10[%dma_wait3A] : memref<768xi32, #tpu.memory_space<vmem>> -> memref<128xi32, #tpu.memory_space<vmem>>
    %dma_wait3A_47 = arith.constant 0 : i32
    %dma_wait3A_48 = tpu.memref_slice %arg2[%dma_wait3A_47] : memref<819200xi32, #tpu.memory_space<hbm>> -> memref<128xi32, #tpu.memory_space<hbm>>
    %dma_wait3A_49 = arith.constant 0 : i32
    %dma_wait3A_50 = tpu.memref_slice %arg10[%dma_wait3A_49] : memref<768xi32, #tpu.memory_space<vmem>> -> memref<128xi32, #tpu.memory_space<vmem>>
    %dma_wait3A_51 = arith.constant 0 : i32
    %dma_wait3A_52 = tpu.memref_slice %arg2[%dma_wait3A_51] : memref<819200xi32, #tpu.memory_space<hbm>> -> memref<128xi32, #tpu.memory_space<hbm>>
    tpu.wait_dma2 semaphore(%arg14 : memref<!tpu.dma_semaphore, #tpu.memory_space<semaphore_mem>>) src(%dma_wait3A_52 : memref<128xi32, #tpu.memory_space<hbm>>) dst(%dma_wait3A_50 : memref<128xi32, #tpu.memory_space<vmem>>)
    %dma_wait3A_53 = arith.constant 128 : i32
    %dma_wait3A_54 = tpu.memref_slice %arg10[%dma_wait3A_53] : memref<768xi32, #tpu.memory_space<vmem>> -> memref<128xi32, #tpu.memory_space<vmem>>
    %dma_wait3A_55 = arith.constant 0 : i32
    %dma_wait3A_56 = tpu.memref_slice %arg3[%dma_wait3A_55] : memref<819200xi32, #tpu.memory_space<hbm>> -> memref<128xi32, #tpu.memory_space<hbm>>
    %dma_wait3A_57 = arith.constant 128 : i32
    %dma_wait3A_58 = tpu.memref_slice %arg10[%dma_wait3A_57] : memref<768xi32, #tpu.memory_space<vmem>> -> memref<128xi32, #tpu.memory_space<vmem>>
    %dma_wait3A_59 = arith.constant 0 : i32
    %dma_wait3A_60 = tpu.memref_slice %arg3[%dma_wait3A_59] : memref<819200xi32, #tpu.memory_space<hbm>> -> memref<128xi32, #tpu.memory_space<hbm>>
    tpu.wait_dma2 semaphore(%arg14 : memref<!tpu.dma_semaphore, #tpu.memory_space<semaphore_mem>>) src(%dma_wait3A_60 : memref<128xi32, #tpu.memory_space<hbm>>) dst(%dma_wait3A_58 : memref<128xi32, #tpu.memory_space<vmem>>)
    %dma_wait3A_61 = arith.constant 256 : i32
    %dma_wait3A_62 = tpu.memref_slice %arg10[%dma_wait3A_61] : memref<768xi32, #tpu.memory_space<vmem>> -> memref<128xi32, #tpu.memory_space<vmem>>
    %dma_wait3A_63 = arith.constant 0 : i32
    %dma_wait3A_64 = tpu.memref_slice %arg4[%dma_wait3A_63] : memref<819200xi32, #tpu.memory_space<hbm>> -> memref<128xi32, #tpu.memory_space<hbm>>
    %dma_wait3A_65 = arith.constant 256 : i32
    %dma_wait3A_66 = tpu.memref_slice %arg10[%dma_wait3A_65] : memref<768xi32, #tpu.memory_space<vmem>> -> memref<128xi32, #tpu.memory_space<vmem>>
    %dma_wait3A_67 = arith.constant 0 : i32
    %dma_wait3A_68 = tpu.memref_slice %arg4[%dma_wait3A_67] : memref<819200xi32, #tpu.memory_space<hbm>> -> memref<128xi32, #tpu.memory_space<hbm>>
    tpu.wait_dma2 semaphore(%arg14 : memref<!tpu.dma_semaphore, #tpu.memory_space<semaphore_mem>>) src(%dma_wait3A_68 : memref<128xi32, #tpu.memory_space<hbm>>) dst(%dma_wait3A_66 : memref<128xi32, #tpu.memory_space<vmem>>)
    %dma_start3A_69 = arith.constant 0 : i32
    %dma_start3A_70 = arith.constant 0 : i32
    %dma_start3A_71 = arith.constant 0 : i32
    %dma_start3A_72 = arith.constant 0 : i32
    %dma_start3A_73 = tpu.memref_slice %arg11[%dma_start3A_69, %dma_start3A_70, %dma_start3A_71, %dma_start3A_72] : memref<2x3x128x128xf32, #tpu.memory_space<vmem>> -> memref<1x1x128x128xf32, #tpu.memory_space<vmem>>
    %dma_start3A_74 = tpu.memref_squeeze %dma_start3A_73 : memref<1x1x128x128xf32, #tpu.memory_space<vmem>> -> memref<128x128xf32, #tpu.memory_space<vmem>>
    %dma_start3A_75 = arith.constant 0 : i32
    %dma_start3A_76 = tpu.memref_slice %arg10[%dma_start3A_75] : memref<768xi32, #tpu.memory_space<vmem>> -> memref<128xi32, #tpu.memory_space<vmem>>
    %dma_start3A_77 = arith.constant 0 : i32
    %dma_start3A_78 = arith.constant 0 : i32
    %dma_start3A_79 = tpu.memref_slice %arg5[%dma_start3A_77, %dma_start3A_78] : memref<100001x128xf32, #tpu.memory_space<hbm>> -> memref<100001x128xf32, #tpu.memory_space<hbm>>
    tpu.enqueue_indirect_dma source(%dma_start3A_79 : memref<100001x128xf32, #tpu.memory_space<hbm>>) target(%dma_start3A_74 : memref<128x128xf32, #tpu.memory_space<vmem>>) offsets(%dma_start3A_76 : memref<128xi32, #tpu.memory_space<vmem>>) semaphore(%arg16 : memref<!tpu.dma_semaphore, #tpu.memory_space<semaphore_mem>>)
    %dma_start3A_80 = arith.constant 0 : i32
    %dma_start3A_81 = arith.constant 1 : i32
    %dma_start3A_82 = arith.constant 0 : i32
    %dma_start3A_83 = arith.constant 0 : i32
    %dma_start3A_84 = tpu.memref_slice %arg11[%dma_start3A_80, %dma_start3A_81, %dma_start3A_82, %dma_start3A_83] : memref<2x3x128x128xf32, #tpu.memory_space<vmem>> -> memref<1x1x128x128xf32, #tpu.memory_space<vmem>>
    %dma_start3A_85 = tpu.memref_squeeze %dma_start3A_84 : memref<1x1x128x128xf32, #tpu.memory_space<vmem>> -> memref<128x128xf32, #tpu.memory_space<vmem>>
    %dma_start3A_86 = arith.constant 128 : i32
    %dma_start3A_87 = tpu.memref_slice %arg10[%dma_start3A_86] : memref<768xi32, #tpu.memory_space<vmem>> -> memref<128xi32, #tpu.memory_space<vmem>>
    %dma_start3A_88 = arith.constant 0 : i32
    %dma_start3A_89 = arith.constant 0 : i32
    %dma_start3A_90 = tpu.memref_slice %arg6[%dma_start3A_88, %dma_start3A_89] : memref<1001x128xf32, #tpu.memory_space<hbm>> -> memref<1001x128xf32, #tpu.memory_space<hbm>>
    tpu.enqueue_indirect_dma source(%dma_start3A_90 : memref<1001x128xf32, #tpu.memory_space<hbm>>) target(%dma_start3A_85 : memref<128x128xf32, #tpu.memory_space<vmem>>) offsets(%dma_start3A_87 : memref<128xi32, #tpu.memory_space<vmem>>) semaphore(%arg16 : memref<!tpu.dma_semaphore, #tpu.memory_space<semaphore_mem>>)
    %dma_start3A_91 = arith.constant 0 : i32
    %dma_start3A_92 = arith.constant 2 : i32
    %dma_start3A_93 = arith.constant 0 : i32
    %dma_start3A_94 = arith.constant 0 : i32
    %dma_start3A_95 = tpu.memref_slice %arg11[%dma_start3A_91, %dma_start3A_92, %dma_start3A_93, %dma_start3A_94] : memref<2x3x128x128xf32, #tpu.memory_space<vmem>> -> memref<1x1x128x128xf32, #tpu.memory_space<vmem>>
    %dma_start3A_96 = tpu.memref_squeeze %dma_start3A_95 : memref<1x1x128x128xf32, #tpu.memory_space<vmem>> -> memref<128x128xf32, #tpu.memory_space<vmem>>
    %dma_start3A_97 = arith.constant 256 : i32
    %dma_start3A_98 = tpu.memref_slice %arg10[%dma_start3A_97] : memref<768xi32, #tpu.memory_space<vmem>> -> memref<128xi32, #tpu.memory_space<vmem>>
    %dma_start3A_99 = arith.constant 0 : i32
    %dma_start3A_100 = arith.constant 0 : i32
    %dma_start3A_101 = tpu.memref_slice %arg7[%dma_start3A_99, %dma_start3A_100] : memref<1001x128xf32, #tpu.memory_space<hbm>> -> memref<1001x128xf32, #tpu.memory_space<hbm>>
    tpu.enqueue_indirect_dma source(%dma_start3A_101 : memref<1001x128xf32, #tpu.memory_space<hbm>>) target(%dma_start3A_96 : memref<128x128xf32, #tpu.memory_space<vmem>>) offsets(%dma_start3A_98 : memref<128xi32, #tpu.memory_space<vmem>>) semaphore(%arg16 : memref<!tpu.dma_semaphore, #tpu.memory_space<semaphore_mem>>)
    %scan3A = arith.constant 0 : i32
    %scan3A_102 = arith.constant 0 : i32
    %scan3A_103 = arith.constant 100 : i32
    %scan3A_104 = arith.addi %scan3A_102, %scan3A_103 : i32
    %scan3A_105 = arith.constant 1 : i32
    scf.for %scan3A_113 = %scan3A_102 to %scan3A_104 step %scan3A_105  : i32 {
      %mul3A_114 = arith.constant 2 : i32
      %mul3A_115 = arith.muli %scan3A_113, %mul3A_114 : i32
      %add3A_116 = arith.constant 0 : i32
      %add3A_117 = arith.addi %mul3A_115, %add3A_116 : i32
      %dma_wait3A_118 = arith.constant 0 : i32
      %dma_wait3A_119 = arith.constant 0 : i32
      %dma_wait3A_120 = arith.constant 0 : i32
      %dma_wait3A_121 = arith.constant 0 : i32
      %dma_wait3A_122 = tpu.memref_slice %arg11[%dma_wait3A_118, %dma_wait3A_119, %dma_wait3A_120, %dma_wait3A_121] : memref<2x3x128x128xf32, #tpu.memory_space<vmem>> -> memref<1x1x128x128xf32, #tpu.memory_space<vmem>>
      %dma_wait3A_123 = tpu.memref_squeeze %dma_wait3A_122 : memref<1x1x128x128xf32, #tpu.memory_space<vmem>> -> memref<128x128xf32, #tpu.memory_space<vmem>>
      %dma_wait3A_124 = arith.constant 0 : i32
      %dma_wait3A_125 = tpu.memref_slice %arg10[%dma_wait3A_124] : memref<768xi32, #tpu.memory_space<vmem>> -> memref<128xi32, #tpu.memory_space<vmem>>
      %dma_wait3A_126 = arith.constant 0 : i32
      %dma_wait3A_127 = arith.constant 0 : i32
      %dma_wait3A_128 = tpu.memref_slice %arg5[%dma_wait3A_126, %dma_wait3A_127] : memref<100001x128xf32, #tpu.memory_space<hbm>> -> memref<100001x128xf32, #tpu.memory_space<hbm>>
      tpu.wait_indirect_dma semaphore(%arg16 : memref<!tpu.dma_semaphore, #tpu.memory_space<semaphore_mem>>) src(%dma_wait3A_128 : memref<100001x128xf32, #tpu.memory_space<hbm>>) dst(%dma_wait3A_123 : memref<128x128xf32, #tpu.memory_space<vmem>>)
      %dma_wait3A_129 = arith.constant 0 : i32
      %dma_wait3A_130 = arith.constant 1 : i32
      %dma_wait3A_131 = arith.constant 0 : i32
      %dma_wait3A_132 = arith.constant 0 : i32
      %dma_wait3A_133 = tpu.memref_slice %arg11[%dma_wait3A_129, %dma_wait3A_130, %dma_wait3A_131, %dma_wait3A_132] : memref<2x3x128x128xf32, #tpu.memory_space<vmem>> -> memref<1x1x128x128xf32, #tpu.memory_space<vmem>>
      %dma_wait3A_134 = tpu.memref_squeeze %dma_wait3A_133 : memref<1x1x128x128xf32, #tpu.memory_space<vmem>> -> memref<128x128xf32, #tpu.memory_space<vmem>>
      %dma_wait3A_135 = arith.constant 128 : i32
      %dma_wait3A_136 = tpu.memref_slice %arg10[%dma_wait3A_135] : memref<768xi32, #tpu.memory_space<vmem>> -> memref<128xi32, #tpu.memory_space<vmem>>
      %dma_wait3A_137 = arith.constant 0 : i32
      %dma_wait3A_138 = arith.constant 0 : i32
      %dma_wait3A_139 = tpu.memref_slice %arg6[%dma_wait3A_137, %dma_wait3A_138] : memref<1001x128xf32, #tpu.memory_space<hbm>> -> memref<1001x128xf32, #tpu.memory_space<hbm>>
      tpu.wait_indirect_dma semaphore(%arg16 : memref<!tpu.dma_semaphore, #tpu.memory_space<semaphore_mem>>) src(%dma_wait3A_139 : memref<1001x128xf32, #tpu.memory_space<hbm>>) dst(%dma_wait3A_134 : memref<128x128xf32, #tpu.memory_space<vmem>>)
      %dma_wait3A_140 = arith.constant 0 : i32
      %dma_wait3A_141 = arith.constant 2 : i32
      %dma_wait3A_142 = arith.constant 0 : i32
      %dma_wait3A_143 = arith.constant 0 : i32
      %dma_wait3A_144 = tpu.memref_slice %arg11[%dma_wait3A_140, %dma_wait3A_141, %dma_wait3A_142, %dma_wait3A_143] : memref<2x3x128x128xf32, #tpu.memory_space<vmem>> -> memref<1x1x128x128xf32, #tpu.memory_space<vmem>>
      %dma_wait3A_145 = tpu.memref_squeeze %dma_wait3A_144 : memref<1x1x128x128xf32, #tpu.memory_space<vmem>> -> memref<128x128xf32, #tpu.memory_space<vmem>>
      %dma_wait3A_146 = arith.constant 256 : i32
      %dma_wait3A_147 = tpu.memref_slice %arg10[%dma_wait3A_146] : memref<768xi32, #tpu.memory_space<vmem>> -> memref<128xi32, #tpu.memory_space<vmem>>
      %dma_wait3A_148 = arith.constant 0 : i32
      %dma_wait3A_149 = arith.constant 0 : i32
      %dma_wait3A_150 = tpu.memref_slice %arg7[%dma_wait3A_148, %dma_wait3A_149] : memref<1001x128xf32, #tpu.memory_space<hbm>> -> memref<1001x128xf32, #tpu.memory_space<hbm>>
      tpu.wait_indirect_dma semaphore(%arg16 : memref<!tpu.dma_semaphore, #tpu.memory_space<semaphore_mem>>) src(%dma_wait3A_150 : memref<1001x128xf32, #tpu.memory_space<hbm>>) dst(%dma_wait3A_145 : memref<128x128xf32, #tpu.memory_space<vmem>>)
      %add3A_151 = arith.constant 2 : i32
      %add3A_152 = arith.addi %add3A_117, %add3A_151 : i32
      %lt3A = arith.constant 200 : i32
      %lt3A_153 = arith.cmpi slt, %add3A_152, %lt3A : i32
      %convert_element_type3A = arith.extui %lt3A_153 : i1 to i32
      %cond3A = arith.constant 0 : i32
      %cond3A_154 = arith.cmpi ne, %convert_element_type3A, %cond3A : i32
      scf.if %cond3A_154 {
        %add3A_269 = arith.constant 2 : i32
        %add3A_270 = arith.addi %add3A_117, %add3A_269 : i32
        %add3A_271 = arith.addi %mul3A_2, %add3A_270 : i32
        %mul3A_272 = arith.constant 128 : i32
        %mul3A_273 = arith.muli %add3A_271, %mul3A_272 : i32
        %dma_start3A_274 = arith.constant 0 : i32
        %dma_start3A_275 = tpu.memref_slice %arg10[%dma_start3A_274] : memref<768xi32, #tpu.memory_space<vmem>> -> memref<128xi32, #tpu.memory_space<vmem>>
        %dma_start3A_276 = tpu.memref_slice %arg2[%mul3A_273] : memref<819200xi32, #tpu.memory_space<hbm>> -> memref<128xi32, #tpu.memory_space<hbm>>
        %dma_start3A_277 = arith.constant 0 : i32
        %dma_start3A_278 = tpu.memref_slice %arg10[%dma_start3A_277] : memref<768xi32, #tpu.memory_space<vmem>> -> memref<128xi32, #tpu.memory_space<vmem>>
        %dma_start3A_279 = tpu.memref_slice %arg2[%mul3A_273] : memref<819200xi32, #tpu.memory_space<hbm>> -> memref<128xi32, #tpu.memory_space<hbm>>
        tpu.enqueue_dma source(%dma_start3A_279 : memref<128xi32, #tpu.memory_space<hbm>>) target(%dma_start3A_278 : memref<128xi32, #tpu.memory_space<vmem>>) target_semaphore(%arg14 : memref<!tpu.dma_semaphore, #tpu.memory_space<semaphore_mem>>)
        %dma_start3A_280 = arith.constant 128 : i32
        %dma_start3A_281 = tpu.memref_slice %arg10[%dma_start3A_280] : memref<768xi32, #tpu.memory_space<vmem>> -> memref<128xi32, #tpu.memory_space<vmem>>
        %dma_start3A_282 = tpu.memref_slice %arg3[%mul3A_273] : memref<819200xi32, #tpu.memory_space<hbm>> -> memref<128xi32, #tpu.memory_space<hbm>>
        %dma_start3A_283 = arith.constant 128 : i32
        %dma_start3A_284 = tpu.memref_slice %arg10[%dma_start3A_283] : memref<768xi32, #tpu.memory_space<vmem>> -> memref<128xi32, #tpu.memory_space<vmem>>
        %dma_start3A_285 = tpu.memref_slice %arg3[%mul3A_273] : memref<819200xi32, #tpu.memory_space<hbm>> -> memref<128xi32, #tpu.memory_space<hbm>>
        tpu.enqueue_dma source(%dma_start3A_285 : memref<128xi32, #tpu.memory_space<hbm>>) target(%dma_start3A_284 : memref<128xi32, #tpu.memory_space<vmem>>) target_semaphore(%arg14 : memref<!tpu.dma_semaphore, #tpu.memory_space<semaphore_mem>>)
        %dma_start3A_286 = arith.constant 256 : i32
        %dma_start3A_287 = tpu.memref_slice %arg10[%dma_start3A_286] : memref<768xi32, #tpu.memory_space<vmem>> -> memref<128xi32, #tpu.memory_space<vmem>>
        %dma_start3A_288 = tpu.memref_slice %arg4[%mul3A_273] : memref<819200xi32, #tpu.memory_space<hbm>> -> memref<128xi32, #tpu.memory_space<hbm>>
        %dma_start3A_289 = arith.constant 256 : i32
        %dma_start3A_290 = tpu.memref_slice %arg10[%dma_start3A_289] : memref<768xi32, #tpu.memory_space<vmem>> -> memref<128xi32, #tpu.memory_space<vmem>>
        %dma_start3A_291 = tpu.memref_slice %arg4[%mul3A_273] : memref<819200xi32, #tpu.memory_space<hbm>> -> memref<128xi32, #tpu.memory_space<hbm>>
        tpu.enqueue_dma source(%dma_start3A_291 : memref<128xi32, #tpu.memory_space<hbm>>) target(%dma_start3A_290 : memref<128xi32, #tpu.memory_space<vmem>>) target_semaphore(%arg14 : memref<!tpu.dma_semaphore, #tpu.memory_space<semaphore_mem>>)
      } else {
      }
      %add3A_155 = arith.constant 1 : i32
      %add3A_156 = arith.addi %add3A_117, %add3A_155 : i32
      %lt3A_157 = arith.constant 200 : i32
      %lt3A_158 = arith.cmpi slt, %add3A_156, %lt3A_157 : i32
      %convert_element_type3A_159 = arith.extui %lt3A_158 : i1 to i32
      %cond3A_160 = arith.constant 0 : i32
      %cond3A_161 = arith.cmpi ne, %convert_element_type3A_159, %cond3A_160 : i32
      scf.if %cond3A_161 {
        %dma_wait3A_269 = arith.constant 384 : i32
        %dma_wait3A_270 = tpu.memref_slice %arg10[%dma_wait3A_269] : memref<768xi32, #tpu.memory_space<vmem>> -> memref<128xi32, #tpu.memory_space<vmem>>
        %dma_wait3A_271 = arith.constant 0 : i32
        %dma_wait3A_272 = tpu.memref_slice %arg2[%dma_wait3A_271] : memref<819200xi32, #tpu.memory_space<hbm>> -> memref<128xi32, #tpu.memory_space<hbm>>
        %dma_wait3A_273 = arith.constant 384 : i32
        %dma_wait3A_274 = tpu.memref_slice %arg10[%dma_wait3A_273] : memref<768xi32, #tpu.memory_space<vmem>> -> memref<128xi32, #tpu.memory_space<vmem>>
        %dma_wait3A_275 = arith.constant 0 : i32
        %dma_wait3A_276 = tpu.memref_slice %arg2[%dma_wait3A_275] : memref<819200xi32, #tpu.memory_space<hbm>> -> memref<128xi32, #tpu.memory_space<hbm>>
        tpu.wait_dma2 semaphore(%arg15 : memref<!tpu.dma_semaphore, #tpu.memory_space<semaphore_mem>>) src(%dma_wait3A_276 : memref<128xi32, #tpu.memory_space<hbm>>) dst(%dma_wait3A_274 : memref<128xi32, #tpu.memory_space<vmem>>)
        %dma_wait3A_277 = arith.constant 512 : i32
        %dma_wait3A_278 = tpu.memref_slice %arg10[%dma_wait3A_277] : memref<768xi32, #tpu.memory_space<vmem>> -> memref<128xi32, #tpu.memory_space<vmem>>
        %dma_wait3A_279 = arith.constant 0 : i32
        %dma_wait3A_280 = tpu.memref_slice %arg3[%dma_wait3A_279] : memref<819200xi32, #tpu.memory_space<hbm>> -> memref<128xi32, #tpu.memory_space<hbm>>
        %dma_wait3A_281 = arith.constant 512 : i32
        %dma_wait3A_282 = tpu.memref_slice %arg10[%dma_wait3A_281] : memref<768xi32, #tpu.memory_space<vmem>> -> memref<128xi32, #tpu.memory_space<vmem>>
        %dma_wait3A_283 = arith.constant 0 : i32
        %dma_wait3A_284 = tpu.memref_slice %arg3[%dma_wait3A_283] : memref<819200xi32, #tpu.memory_space<hbm>> -> memref<128xi32, #tpu.memory_space<hbm>>
        tpu.wait_dma2 semaphore(%arg15 : memref<!tpu.dma_semaphore, #tpu.memory_space<semaphore_mem>>) src(%dma_wait3A_284 : memref<128xi32, #tpu.memory_space<hbm>>) dst(%dma_wait3A_282 : memref<128xi32, #tpu.memory_space<vmem>>)
        %dma_wait3A_285 = arith.constant 640 : i32
        %dma_wait3A_286 = tpu.memref_slice %arg10[%dma_wait3A_285] : memref<768xi32, #tpu.memory_space<vmem>> -> memref<128xi32, #tpu.memory_space<vmem>>
        %dma_wait3A_287 = arith.constant 0 : i32
        %dma_wait3A_288 = tpu.memref_slice %arg4[%dma_wait3A_287] : memref<819200xi32, #tpu.memory_space<hbm>> -> memref<128xi32, #tpu.memory_space<hbm>>
        %dma_wait3A_289 = arith.constant 640 : i32
        %dma_wait3A_290 = tpu.memref_slice %arg10[%dma_wait3A_289] : memref<768xi32, #tpu.memory_space<vmem>> -> memref<128xi32, #tpu.memory_space<vmem>>
        %dma_wait3A_291 = arith.constant 0 : i32
        %dma_wait3A_292 = tpu.memref_slice %arg4[%dma_wait3A_291] : memref<819200xi32, #tpu.memory_space<hbm>> -> memref<128xi32, #tpu.memory_space<hbm>>
        tpu.wait_dma2 semaphore(%arg15 : memref<!tpu.dma_semaphore, #tpu.memory_space<semaphore_mem>>) src(%dma_wait3A_292 : memref<128xi32, #tpu.memory_space<hbm>>) dst(%dma_wait3A_290 : memref<128xi32, #tpu.memory_space<vmem>>)
        %dma_start3A_293 = arith.constant 1 : i32
        %dma_start3A_294 = arith.constant 0 : i32
        %dma_start3A_295 = arith.constant 0 : i32
        %dma_start3A_296 = arith.constant 0 : i32
        %dma_start3A_297 = tpu.memref_slice %arg11[%dma_start3A_293, %dma_start3A_294, %dma_start3A_295, %dma_start3A_296] : memref<2x3x128x128xf32, #tpu.memory_space<vmem>> -> memref<1x1x128x128xf32, #tpu.memory_space<vmem>>
        %dma_start3A_298 = tpu.memref_squeeze %dma_start3A_297 : memref<1x1x128x128xf32, #tpu.memory_space<vmem>> -> memref<128x128xf32, #tpu.memory_space<vmem>>
        %dma_start3A_299 = arith.constant 384 : i32
        %dma_start3A_300 = tpu.memref_slice %arg10[%dma_start3A_299] : memref<768xi32, #tpu.memory_space<vmem>> -> memref<128xi32, #tpu.memory_space<vmem>>
        %dma_start3A_301 = arith.constant 0 : i32
        %dma_start3A_302 = arith.constant 0 : i32
        %dma_start3A_303 = tpu.memref_slice %arg5[%dma_start3A_301, %dma_start3A_302] : memref<100001x128xf32, #tpu.memory_space<hbm>> -> memref<100001x128xf32, #tpu.memory_space<hbm>>
        tpu.enqueue_indirect_dma source(%dma_start3A_303 : memref<100001x128xf32, #tpu.memory_space<hbm>>) target(%dma_start3A_298 : memref<128x128xf32, #tpu.memory_space<vmem>>) offsets(%dma_start3A_300 : memref<128xi32, #tpu.memory_space<vmem>>) semaphore(%arg17 : memref<!tpu.dma_semaphore, #tpu.memory_space<semaphore_mem>>)
        %dma_start3A_304 = arith.constant 1 : i32
        %dma_start3A_305 = arith.constant 1 : i32
        %dma_start3A_306 = arith.constant 0 : i32
        %dma_start3A_307 = arith.constant 0 : i32
        %dma_start3A_308 = tpu.memref_slice %arg11[%dma_start3A_304, %dma_start3A_305, %dma_start3A_306, %dma_start3A_307] : memref<2x3x128x128xf32, #tpu.memory_space<vmem>> -> memref<1x1x128x128xf32, #tpu.memory_space<vmem>>
        %dma_start3A_309 = tpu.memref_squeeze %dma_start3A_308 : memref<1x1x128x128xf32, #tpu.memory_space<vmem>> -> memref<128x128xf32, #tpu.memory_space<vmem>>
        %dma_start3A_310 = arith.constant 512 : i32
        %dma_start3A_311 = tpu.memref_slice %arg10[%dma_start3A_310] : memref<768xi32, #tpu.memory_space<vmem>> -> memref<128xi32, #tpu.memory_space<vmem>>
        %dma_start3A_312 = arith.constant 0 : i32
        %dma_start3A_313 = arith.constant 0 : i32
        %dma_start3A_314 = tpu.memref_slice %arg6[%dma_start3A_312, %dma_start3A_313] : memref<1001x128xf32, #tpu.memory_space<hbm>> -> memref<1001x128xf32, #tpu.memory_space<hbm>>
        tpu.enqueue_indirect_dma source(%dma_start3A_314 : memref<1001x128xf32, #tpu.memory_space<hbm>>) target(%dma_start3A_309 : memref<128x128xf32, #tpu.memory_space<vmem>>) offsets(%dma_start3A_311 : memref<128xi32, #tpu.memory_space<vmem>>) semaphore(%arg17 : memref<!tpu.dma_semaphore, #tpu.memory_space<semaphore_mem>>)
        %dma_start3A_315 = arith.constant 1 : i32
        %dma_start3A_316 = arith.constant 2 : i32
        %dma_start3A_317 = arith.constant 0 : i32
        %dma_start3A_318 = arith.constant 0 : i32
        %dma_start3A_319 = tpu.memref_slice %arg11[%dma_start3A_315, %dma_start3A_316, %dma_start3A_317, %dma_start3A_318] : memref<2x3x128x128xf32, #tpu.memory_space<vmem>> -> memref<1x1x128x128xf32, #tpu.memory_space<vmem>>
        %dma_start3A_320 = tpu.memref_squeeze %dma_start3A_319 : memref<1x1x128x128xf32, #tpu.memory_space<vmem>> -> memref<128x128xf32, #tpu.memory_space<vmem>>
        %dma_start3A_321 = arith.constant 640 : i32
        %dma_start3A_322 = tpu.memref_slice %arg10[%dma_start3A_321] : memref<768xi32, #tpu.memory_space<vmem>> -> memref<128xi32, #tpu.memory_space<vmem>>
        %dma_start3A_323 = arith.constant 0 : i32
        %dma_start3A_324 = arith.constant 0 : i32
        %dma_start3A_325 = tpu.memref_slice %arg7[%dma_start3A_323, %dma_start3A_324] : memref<1001x128xf32, #tpu.memory_space<hbm>> -> memref<1001x128xf32, #tpu.memory_space<hbm>>
        tpu.enqueue_indirect_dma source(%dma_start3A_325 : memref<1001x128xf32, #tpu.memory_space<hbm>>) target(%dma_start3A_320 : memref<128x128xf32, #tpu.memory_space<vmem>>) offsets(%dma_start3A_322 : memref<128xi32, #tpu.memory_space<vmem>>) semaphore(%arg17 : memref<!tpu.dma_semaphore, #tpu.memory_space<semaphore_mem>>)
      } else {
      }
      %gt3A = arith.constant 0 : i32
      %gt3A_162 = arith.cmpi sgt, %add3A_117, %gt3A : i32
      %convert_element_type3A_163 = arith.extui %gt3A_162 : i1 to i32
      %cond3A_164 = arith.constant 0 : i32
      %cond3A_165 = arith.cmpi ne, %convert_element_type3A_163, %cond3A_164 : i32
      scf.if %cond3A_165 {
        %dma_wait3A_269 = arith.constant 0 : i32
        %dma_wait3A_270 = arith.constant 0 : i32
        %dma_wait3A_271 = tpu.memref_slice %arg9[%dma_wait3A_269, %dma_wait3A_270] : memref<819200x64xf32, #tpu.memory_space<hbm>> -> memref<128x64xf32, #tpu.memory_space<hbm>>
        %dma_wait3A_272 = arith.constant 0 : i32
        %dma_wait3A_273 = arith.constant 0 : i32
        %dma_wait3A_274 = tpu.memref_slice %arg9[%dma_wait3A_272, %dma_wait3A_273] : memref<819200x64xf32, #tpu.memory_space<hbm>> -> memref<128x64xf32, #tpu.memory_space<hbm>>
        tpu.wait_dma2 semaphore(%arg18 : memref<!tpu.dma_semaphore, #tpu.memory_space<semaphore_mem>>) src(%arg12 : memref<128x64xf32, #tpu.memory_space<vmem>>) dst(%dma_wait3A_274 : memref<128x64xf32, #tpu.memory_space<hbm>>)
      } else {
      }
      %add3A_166 = arith.addi %mul3A_2, %add3A_117 : i32
      %mul3A_167 = arith.constant 128 : i32
      %mul3A_168 = arith.muli %add3A_166, %mul3A_167 : i32
      %rem3A = arith.constant 200 : i32
      %rem3A_169 = arith.remsi %mul3A_168, %rem3A : i32
      %scan3A_170 = arith.constant 0 : i32
      %scan3A_171 = arith.constant 0 : i32
      %scan3A_172 = arith.constant 0 : i32
      %scan3A_173 = arith.constant 1 : i32
      %scan3A_174 = arith.constant 0 : i32
      %scan3A_175 = arith.constant 2 : i32
      %scan3A_176 = arith.constant 0 : i32
      %scan3A_177 = arith.constant 128 : i32
      %scan3A_178 = arith.addi %scan3A_176, %scan3A_177 : i32
      %scan3A_179 = arith.constant 2 : i32
      %scan3A_180 = scf.for %scan3A_269 = %scan3A_176 to %scan3A_178 step %scan3A_179 iter_args(%scan3A_270 = %rem3A_169) -> (i32)  : i32 {
        %mul3A_271 = arith.constant 64 : i32
        %mul3A_272 = arith.muli %scan3A_270, %mul3A_271 : i32
        %add3A_273 = arith.constant 0 : i32
        %add3A_274 = arith.addi %mul3A_272, %add3A_273 : i32
        %get3A = arith.index_cast %add3A_274 : i32 to index
        %get3A_275 = tpu.vector_load %arg13[%get3A] {strides = array<i32>} : memref<12800xf32, #tpu.memory_space<vmem>>, vector<16xf32>,
        %get3A_276 = vector.shape_cast %get3A_275 : vector<16xf32> to vector<16xf32>
        %get3A_277 = arith.constant 0 : i32
        %get3A_278 = arith.constant 0 : i32
        %get3A_279 = tpu.memref_slice %arg11[%scan3A_170, %scan3A_171, %get3A_277, %get3A_278] : memref<2x3x128x128xf32, #tpu.memory_space<vmem>> -> memref<1x1x128x128xf32, #tpu.memory_space<vmem>>
        %get3A_280 = tpu.memref_squeeze %get3A_279 : memref<1x1x128x128xf32, #tpu.memory_space<vmem>> -> memref<128x128xf32, #tpu.memory_space<vmem>>
        %get3A_281 = arith.index_cast %scan3A_269 : i32 to index
        %get3A_282 = arith.constant 0 : index
        %get3A_283 = tpu.vector_load %get3A_280[%get3A_281, %get3A_282] {strides = array<i32>} : memref<128x128xf32, #tpu.memory_space<vmem>>, vector<1x16xf32>,
        %get3A_284 = vector.shape_cast %get3A_283 : vector<1x16xf32> to vector<16xf32>
        %get3A_285 = arith.constant 0 : i32
        %get3A_286 = arith.constant 0 : i32
        %get3A_287 = tpu.memref_slice %arg11[%scan3A_172, %scan3A_173, %get3A_285, %get3A_286] : memref<2x3x128x128xf32, #tpu.memory_space<vmem>> -> memref<1x1x128x128xf32, #tpu.memory_space<vmem>>
        %get3A_288 = tpu.memref_squeeze %get3A_287 : memref<1x1x128x128xf32, #tpu.memory_space<vmem>> -> memref<128x128xf32, #tpu.memory_space<vmem>>
        %get3A_289 = arith.index_cast %scan3A_269 : i32 to index
        %get3A_290 = arith.constant 0 : index
        %get3A_291 = tpu.vector_load %get3A_288[%get3A_289, %get3A_290] {strides = array<i32>} : memref<128x128xf32, #tpu.memory_space<vmem>>, vector<1x16xf32>,
        %get3A_292 = vector.shape_cast %get3A_291 : vector<1x16xf32> to vector<16xf32>
        %add3A_293 = arith.addf %get3A_284, %get3A_292 : vector<16xf32>
        %get3A_294 = arith.constant 0 : i32
        %get3A_295 = arith.constant 0 : i32
        %get3A_296 = tpu.memref_slice %arg11[%scan3A_174, %scan3A_175, %get3A_294, %get3A_295] : memref<2x3x128x128xf32, #tpu.memory_space<vmem>> -> memref<1x1x128x128xf32, #tpu.memory_space<vmem>>
        %get3A_297 = tpu.memref_squeeze %get3A_296 : memref<1x1x128x128xf32, #tpu.memory_space<vmem>> -> memref<128x128xf32, #tpu.memory_space<vmem>>
        %get3A_298 = arith.index_cast %scan3A_269 : i32 to index
        %get3A_299 = arith.constant 0 : index
        %get3A_300 = tpu.vector_load %get3A_297[%get3A_298, %get3A_299] {strides = array<i32>} : memref<128x128xf32, #tpu.memory_space<vmem>>, vector<1x16xf32>,
        %get3A_301 = vector.shape_cast %get3A_300 : vector<1x16xf32> to vector<16xf32>
        %add3A_302 = arith.addf %add3A_293, %get3A_301 : vector<16xf32>
        %add3A_303 = arith.addf %add3A_302, %get3A_276 : vector<16xf32>
        %mul3A_304 = arith.constant 2.500000e-01 : f32
        %mul3A_305 = vector.broadcast %mul3A_304 : f32 to vector<16xf32>
        %mul3A_306 = arith.mulf %add3A_303, %mul3A_305 : vector<16xf32>
        %swap3A = arith.index_cast %scan3A_269 : i32 to index
        %swap3A_307 = arith.constant 0 : index
        %swap3A_308 = tpu.vector_load %arg12[%swap3A, %swap3A_307] {strides = array<i32>} : memref<128x64xf32, #tpu.memory_space<vmem>>, vector<1x16xf32>,
        %swap3A_309 = vector.shape_cast %swap3A_308 : vector<1x16xf32> to vector<16xf32>
        %swap3A_310 = vector.shape_cast %mul3A_306 : vector<16xf32> to vector<1x16xf32>
        tpu.vector_store %arg12[%swap3A, %swap3A_307], %swap3A_310 {strides = array<i32>} : memref<128x64xf32, #tpu.memory_space<vmem>>, vector<1x16xf32>,
        %mul3A_311 = arith.constant 64 : i32
        %mul3A_312 = arith.muli %scan3A_270, %mul3A_311 : i32
        %add3A_313 = arith.constant 16 : i32
        %add3A_314 = arith.addi %mul3A_312, %add3A_313 : i32
        %get3A_315 = arith.index_cast %add3A_314 : i32 to index
        %get3A_316 = tpu.vector_load %arg13[%get3A_315] {strides = array<i32>} : memref<12800xf32, #tpu.memory_space<vmem>>, vector<16xf32>,
        %get3A_317 = vector.shape_cast %get3A_316 : vector<16xf32> to vector<16xf32>
        %get3A_318 = arith.constant 0 : i32
        %get3A_319 = arith.constant 0 : i32
        %get3A_320 = tpu.memref_slice %arg11[%scan3A_170, %scan3A_171, %get3A_318, %get3A_319] : memref<2x3x128x128xf32, #tpu.memory_space<vmem>> -> memref<1x1x128x128xf32, #tpu.memory_space<vmem>>
        %get3A_321 = tpu.memref_squeeze %get3A_320 : memref<1x1x128x128xf32, #tpu.memory_space<vmem>> -> memref<128x128xf32, #tpu.memory_space<vmem>>
        %get3A_322 = arith.index_cast %scan3A_269 : i32 to index
        %get3A_323 = arith.constant 16 : index
        %get3A_324 = tpu.vector_load %get3A_321[%get3A_322, %get3A_323] {strides = array<i32>} : memref<128x128xf32, #tpu.memory_space<vmem>>, vector<1x16xf32>,
        %get3A_325 = vector.shape_cast %get3A_324 : vector<1x16xf32> to vector<16xf32>
        %get3A_326 = arith.constant 0 : i32
        %get3A_327 = arith.constant 0 : i32
        %get3A_328 = tpu.memref_slice %arg11[%scan3A_172, %scan3A_173, %get3A_326, %get3A_327] : memref<2x3x128x128xf32, #tpu.memory_space<vmem>> -> memref<1x1x128x128xf32, #tpu.memory_space<vmem>>
        %get3A_329 = tpu.memref_squeeze %get3A_328 : memref<1x1x128x128xf32, #tpu.memory_space<vmem>> -> memref<128x128xf32, #tpu.memory_space<vmem>>
        %get3A_330 = arith.index_cast %scan3A_269 : i32 to index
        %get3A_331 = arith.constant 16 : index
        %get3A_332 = tpu.vector_load %get3A_329[%get3A_330, %get3A_331] {strides = array<i32>} : memref<128x128xf32, #tpu.memory_space<vmem>>, vector<1x16xf32>,
        %get3A_333 = vector.shape_cast %get3A_332 : vector<1x16xf32> to vector<16xf32>
        %add3A_334 = arith.addf %get3A_325, %get3A_333 : vector<16xf32>
        %get3A_335 = arith.constant 0 : i32
        %get3A_336 = arith.constant 0 : i32
        %get3A_337 = tpu.memref_slice %arg11[%scan3A_174, %scan3A_175, %get3A_335, %get3A_336] : memref<2x3x128x128xf32, #tpu.memory_space<vmem>> -> memref<1x1x128x128xf32, #tpu.memory_space<vmem>>
        %get3A_338 = tpu.memref_squeeze %get3A_337 : memref<1x1x128x128xf32, #tpu.memory_space<vmem>> -> memref<128x128xf32, #tpu.memory_space<vmem>>
        %get3A_339 = arith.index_cast %scan3A_269 : i32 to index
        %get3A_340 = arith.constant 16 : index
        %get3A_341 = tpu.vector_load %get3A_338[%get3A_339, %get3A_340] {strides = array<i32>} : memref<128x128xf32, #tpu.memory_space<vmem>>, vector<1x16xf32>,
        %get3A_342 = vector.shape_cast %get3A_341 : vector<1x16xf32> to vector<16xf32>
        %add3A_343 = arith.addf %add3A_334, %get3A_342 : vector<16xf32>
        %add3A_344 = arith.addf %add3A_343, %get3A_317 : vector<16xf32>
        %mul3A_345 = arith.constant 2.500000e-01 : f32
        %mul3A_346 = vector.broadcast %mul3A_345 : f32 to vector<16xf32>
        %mul3A_347 = arith.mulf %add3A_344, %mul3A_346 : vector<16xf32>
        %swap3A_348 = arith.index_cast %scan3A_269 : i32 to index
        %swap3A_349 = arith.constant 16 : index
        %swap3A_350 = tpu.vector_load %arg12[%swap3A_348, %swap3A_349] {strides = array<i32>} : memref<128x64xf32, #tpu.memory_space<vmem>>, vector<1x16xf32>,
        %swap3A_351 = vector.shape_cast %swap3A_350 : vector<1x16xf32> to vector<16xf32>
        %swap3A_352 = vector.shape_cast %mul3A_347 : vector<16xf32> to vector<1x16xf32>
        tpu.vector_store %arg12[%swap3A_348, %swap3A_349], %swap3A_352 {strides = array<i32>} : memref<128x64xf32, #tpu.memory_space<vmem>>, vector<1x16xf32>,
        %mul3A_353 = arith.constant 64 : i32
        %mul3A_354 = arith.muli %scan3A_270, %mul3A_353 : i32
        %add3A_355 = arith.constant 32 : i32
        %add3A_356 = arith.addi %mul3A_354, %add3A_355 : i32
        %get3A_357 = arith.index_cast %add3A_356 : i32 to index
        %get3A_358 = tpu.vector_load %arg13[%get3A_357] {strides = array<i32>} : memref<12800xf32, #tpu.memory_space<vmem>>, vector<16xf32>,
        %get3A_359 = vector.shape_cast %get3A_358 : vector<16xf32> to vector<16xf32>
        %get3A_360 = arith.constant 0 : i32
        %get3A_361 = arith.constant 0 : i32
        %get3A_362 = tpu.memref_slice %arg11[%scan3A_170, %scan3A_171, %get3A_360, %get3A_361] : memref<2x3x128x128xf32, #tpu.memory_space<vmem>> -> memref<1x1x128x128xf32, #tpu.memory_space<vmem>>
        %get3A_363 = tpu.memref_squeeze %get3A_362 : memref<1x1x128x128xf32, #tpu.memory_space<vmem>> -> memref<128x128xf32, #tpu.memory_space<vmem>>
        %get3A_364 = arith.index_cast %scan3A_269 : i32 to index
        %get3A_365 = arith.constant 32 : index
        %get3A_366 = tpu.vector_load %get3A_363[%get3A_364, %get3A_365] {strides = array<i32>} : memref<128x128xf32, #tpu.memory_space<vmem>>, vector<1x16xf32>,
        %get3A_367 = vector.shape_cast %get3A_366 : vector<1x16xf32> to vector<16xf32>
        %get3A_368 = arith.constant 0 : i32
        %get3A_369 = arith.constant 0 : i32
        %get3A_370 = tpu.memref_slice %arg11[%scan3A_172, %scan3A_173, %get3A_368, %get3A_369] : memref<2x3x128x128xf32, #tpu.memory_space<vmem>> -> memref<1x1x128x128xf32, #tpu.memory_space<vmem>>
        %get3A_371 = tpu.memref_squeeze %get3A_370 : memref<1x1x128x128xf32, #tpu.memory_space<vmem>> -> memref<128x128xf32, #tpu.memory_space<vmem>>
        %get3A_372 = arith.index_cast %scan3A_269 : i32 to index
        %get3A_373 = arith.constant 32 : index
        %get3A_374 = tpu.vector_load %get3A_371[%get3A_372, %get3A_373] {strides = array<i32>} : memref<128x128xf32, #tpu.memory_space<vmem>>, vector<1x16xf32>,
        %get3A_375 = vector.shape_cast %get3A_374 : vector<1x16xf32> to vector<16xf32>
        %add3A_376 = arith.addf %get3A_367, %get3A_375 : vector<16xf32>
        %get3A_377 = arith.constant 0 : i32
        %get3A_378 = arith.constant 0 : i32
        %get3A_379 = tpu.memref_slice %arg11[%scan3A_174, %scan3A_175, %get3A_377, %get3A_378] : memref<2x3x128x128xf32, #tpu.memory_space<vmem>> -> memref<1x1x128x128xf32, #tpu.memory_space<vmem>>
        %get3A_380 = tpu.memref_squeeze %get3A_379 : memref<1x1x128x128xf32, #tpu.memory_space<vmem>> -> memref<128x128xf32, #tpu.memory_space<vmem>>
        %get3A_381 = arith.index_cast %scan3A_269 : i32 to index
        %get3A_382 = arith.constant 32 : index
        %get3A_383 = tpu.vector_load %get3A_380[%get3A_381, %get3A_382] {strides = array<i32>} : memref<128x128xf32, #tpu.memory_space<vmem>>, vector<1x16xf32>,
        %get3A_384 = vector.shape_cast %get3A_383 : vector<1x16xf32> to vector<16xf32>
        %add3A_385 = arith.addf %add3A_376, %get3A_384 : vector<16xf32>
        %add3A_386 = arith.addf %add3A_385, %get3A_359 : vector<16xf32>
        %mul3A_387 = arith.constant 2.500000e-01 : f32
        %mul3A_388 = vector.broadcast %mul3A_387 : f32 to vector<16xf32>
        %mul3A_389 = arith.mulf %add3A_386, %mul3A_388 : vector<16xf32>
        %swap3A_390 = arith.index_cast %scan3A_269 : i32 to index
        %swap3A_391 = arith.constant 32 : index
        %swap3A_392 = tpu.vector_load %arg12[%swap3A_390, %swap3A_391] {strides = array<i32>} : memref<128x64xf32, #tpu.memory_space<vmem>>, vector<1x16xf32>,
        %swap3A_393 = vector.shape_cast %swap3A_392 : vector<1x16xf32> to vector<16xf32>
        %swap3A_394 = vector.shape_cast %mul3A_389 : vector<16xf32> to vector<1x16xf32>
        tpu.vector_store %arg12[%swap3A_390, %swap3A_391], %swap3A_394 {strides = array<i32>} : memref<128x64xf32, #tpu.memory_space<vmem>>, vector<1x16xf32>,
        %mul3A_395 = arith.constant 64 : i32
        %mul3A_396 = arith.muli %scan3A_270, %mul3A_395 : i32
        %add3A_397 = arith.constant 48 : i32
        %add3A_398 = arith.addi %mul3A_396, %add3A_397 : i32
        %get3A_399 = arith.index_cast %add3A_398 : i32 to index
        %get3A_400 = tpu.vector_load %arg13[%get3A_399] {strides = array<i32>} : memref<12800xf32, #tpu.memory_space<vmem>>, vector<16xf32>,
        %get3A_401 = vector.shape_cast %get3A_400 : vector<16xf32> to vector<16xf32>
        %get3A_402 = arith.constant 0 : i32
        %get3A_403 = arith.constant 0 : i32
        %get3A_404 = tpu.memref_slice %arg11[%scan3A_170, %scan3A_171, %get3A_402, %get3A_403] : memref<2x3x128x128xf32, #tpu.memory_space<vmem>> -> memref<1x1x128x128xf32, #tpu.memory_space<vmem>>
        %get3A_405 = tpu.memref_squeeze %get3A_404 : memref<1x1x128x128xf32, #tpu.memory_space<vmem>> -> memref<128x128xf32, #tpu.memory_space<vmem>>
        %get3A_406 = arith.index_cast %scan3A_269 : i32 to index
        %get3A_407 = arith.constant 48 : index
        %get3A_408 = tpu.vector_load %get3A_405[%get3A_406, %get3A_407] {strides = array<i32>} : memref<128x128xf32, #tpu.memory_space<vmem>>, vector<1x16xf32>,
        %get3A_409 = vector.shape_cast %get3A_408 : vector<1x16xf32> to vector<16xf32>
        %get3A_410 = arith.constant 0 : i32
        %get3A_411 = arith.constant 0 : i32
        %get3A_412 = tpu.memref_slice %arg11[%scan3A_172, %scan3A_173, %get3A_410, %get3A_411] : memref<2x3x128x128xf32, #tpu.memory_space<vmem>> -> memref<1x1x128x128xf32, #tpu.memory_space<vmem>>
        %get3A_413 = tpu.memref_squeeze %get3A_412 : memref<1x1x128x128xf32, #tpu.memory_space<vmem>> -> memref<128x128xf32, #tpu.memory_space<vmem>>
        %get3A_414 = arith.index_cast %scan3A_269 : i32 to index
        %get3A_415 = arith.constant 48 : index
        %get3A_416 = tpu.vector_load %get3A_413[%get3A_414, %get3A_415] {strides = array<i32>} : memref<128x128xf32, #tpu.memory_space<vmem>>, vector<1x16xf32>,
        %get3A_417 = vector.shape_cast %get3A_416 : vector<1x16xf32> to vector<16xf32>
        %add3A_418 = arith.addf %get3A_409, %get3A_417 : vector<16xf32>
        %get3A_419 = arith.constant 0 : i32
        %get3A_420 = arith.constant 0 : i32
        %get3A_421 = tpu.memref_slice %arg11[%scan3A_174, %scan3A_175, %get3A_419, %get3A_420] : memref<2x3x128x128xf32, #tpu.memory_space<vmem>> -> memref<1x1x128x128xf32, #tpu.memory_space<vmem>>
        %get3A_422 = tpu.memref_squeeze %get3A_421 : memref<1x1x128x128xf32, #tpu.memory_space<vmem>> -> memref<128x128xf32, #tpu.memory_space<vmem>>
        %get3A_423 = arith.index_cast %scan3A_269 : i32 to index
        %get3A_424 = arith.constant 48 : index
        %get3A_425 = tpu.vector_load %get3A_422[%get3A_423, %get3A_424] {strides = array<i32>} : memref<128x128xf32, #tpu.memory_space<vmem>>, vector<1x16xf32>,
        %get3A_426 = vector.shape_cast %get3A_425 : vector<1x16xf32> to vector<16xf32>
        %add3A_427 = arith.addf %add3A_418, %get3A_426 : vector<16xf32>
        %add3A_428 = arith.addf %add3A_427, %get3A_401 : vector<16xf32>
        %mul3A_429 = arith.constant 2.500000e-01 : f32
        %mul3A_430 = vector.broadcast %mul3A_429 : f32 to vector<16xf32>
        %mul3A_431 = arith.mulf %add3A_428, %mul3A_430 : vector<16xf32>
        %swap3A_432 = arith.index_cast %scan3A_269 : i32 to index
        %swap3A_433 = arith.constant 48 : index
        %swap3A_434 = tpu.vector_load %arg12[%swap3A_432, %swap3A_433] {strides = array<i32>} : memref<128x64xf32, #tpu.memory_space<vmem>>, vector<1x16xf32>,
        %swap3A_435 = vector.shape_cast %swap3A_434 : vector<1x16xf32> to vector<16xf32>
        %swap3A_436 = vector.shape_cast %mul3A_431 : vector<16xf32> to vector<1x16xf32>
        tpu.vector_store %arg12[%swap3A_432, %swap3A_433], %swap3A_436 {strides = array<i32>} : memref<128x64xf32, #tpu.memory_space<vmem>>, vector<1x16xf32>,
        %add3A_437 = arith.constant 1 : i32
        %add3A_438 = arith.addi %scan3A_270, %add3A_437 : i32
        %eq3A = arith.constant 200 : i32
        %eq3A_439 = arith.cmpi eq, %add3A_438, %eq3A : i32
        %select_n3A = arith.constant 0 : i32
        %select_n3A_440 = arith.select %eq3A_439, %select_n3A, %add3A_438 : i32
        %scan3A_441 = arith.constant 1 : i32
        %scan3A_442 = arith.addi %scan3A_269, %scan3A_441 : i32
        %mul3A_443 = arith.constant 64 : i32
        %mul3A_444 = arith.muli %select_n3A_440, %mul3A_443 : i32
        %add3A_445 = arith.constant 0 : i32
        %add3A_446 = arith.addi %mul3A_444, %add3A_445 : i32
        %get3A_447 = arith.index_cast %add3A_446 : i32 to index
        %get3A_448 = tpu.vector_load %arg13[%get3A_447] {strides = array<i32>} : memref<12800xf32, #tpu.memory_space<vmem>>, vector<16xf32>,
        %get3A_449 = vector.shape_cast %get3A_448 : vector<16xf32> to vector<16xf32>
        %get3A_450 = arith.constant 0 : i32
        %get3A_451 = arith.constant 0 : i32
        %get3A_452 = tpu.memref_slice %arg11[%scan3A_170, %scan3A_171, %get3A_450, %get3A_451] : memref<2x3x128x128xf32, #tpu.memory_space<vmem>> -> memref<1x1x128x128xf32, #tpu.memory_space<vmem>>
        %get3A_453 = tpu.memref_squeeze %get3A_452 : memref<1x1x128x128xf32, #tpu.memory_space<vmem>> -> memref<128x128xf32, #tpu.memory_space<vmem>>
        %get3A_454 = arith.index_cast %scan3A_442 : i32 to index
        %get3A_455 = arith.constant 0 : index
        %get3A_456 = tpu.vector_load %get3A_453[%get3A_454, %get3A_455] {strides = array<i32>} : memref<128x128xf32, #tpu.memory_space<vmem>>, vector<1x16xf32>,
        %get3A_457 = vector.shape_cast %get3A_456 : vector<1x16xf32> to vector<16xf32>
        %get3A_458 = arith.constant 0 : i32
        %get3A_459 = arith.constant 0 : i32
        %get3A_460 = tpu.memref_slice %arg11[%scan3A_172, %scan3A_173, %get3A_458, %get3A_459] : memref<2x3x128x128xf32, #tpu.memory_space<vmem>> -> memref<1x1x128x128xf32, #tpu.memory_space<vmem>>
        %get3A_461 = tpu.memref_squeeze %get3A_460 : memref<1x1x128x128xf32, #tpu.memory_space<vmem>> -> memref<128x128xf32, #tpu.memory_space<vmem>>
        %get3A_462 = arith.index_cast %scan3A_442 : i32 to index
        %get3A_463 = arith.constant 0 : index
        %get3A_464 = tpu.vector_load %get3A_461[%get3A_462, %get3A_463] {strides = array<i32>} : memref<128x128xf32, #tpu.memory_space<vmem>>, vector<1x16xf32>,
        %get3A_465 = vector.shape_cast %get3A_464 : vector<1x16xf32> to vector<16xf32>
        %add3A_466 = arith.addf %get3A_457, %get3A_465 : vector<16xf32>
        %get3A_467 = arith.constant 0 : i32
        %get3A_468 = arith.constant 0 : i32
        %get3A_469 = tpu.memref_slice %arg11[%scan3A_174, %scan3A_175, %get3A_467, %get3A_468] : memref<2x3x128x128xf32, #tpu.memory_space<vmem>> -> memref<1x1x128x128xf32, #tpu.memory_space<vmem>>
        %get3A_470 = tpu.memref_squeeze %get3A_469 : memref<1x1x128x128xf32, #tpu.memory_space<vmem>> -> memref<128x128xf32, #tpu.memory_space<vmem>>
        %get3A_471 = arith.index_cast %scan3A_442 : i32 to index
        %get3A_472 = arith.constant 0 : index
        %get3A_473 = tpu.vector_load %get3A_470[%get3A_471, %get3A_472] {strides = array<i32>} : memref<128x128xf32, #tpu.memory_space<vmem>>, vector<1x16xf32>,
        %get3A_474 = vector.shape_cast %get3A_473 : vector<1x16xf32> to vector<16xf32>
        %add3A_475 = arith.addf %add3A_466, %get3A_474 : vector<16xf32>
        %add3A_476 = arith.addf %add3A_475, %get3A_449 : vector<16xf32>
        %mul3A_477 = arith.constant 2.500000e-01 : f32
        %mul3A_478 = vector.broadcast %mul3A_477 : f32 to vector<16xf32>
        %mul3A_479 = arith.mulf %add3A_476, %mul3A_478 : vector<16xf32>
        %swap3A_480 = arith.index_cast %scan3A_442 : i32 to index
        %swap3A_481 = arith.constant 0 : index
        %swap3A_482 = tpu.vector_load %arg12[%swap3A_480, %swap3A_481] {strides = array<i32>} : memref<128x64xf32, #tpu.memory_space<vmem>>, vector<1x16xf32>,
        %swap3A_483 = vector.shape_cast %swap3A_482 : vector<1x16xf32> to vector<16xf32>
        %swap3A_484 = vector.shape_cast %mul3A_479 : vector<16xf32> to vector<1x16xf32>
        tpu.vector_store %arg12[%swap3A_480, %swap3A_481], %swap3A_484 {strides = array<i32>} : memref<128x64xf32, #tpu.memory_space<vmem>>, vector<1x16xf32>,
        %mul3A_485 = arith.constant 64 : i32
        %mul3A_486 = arith.muli %select_n3A_440, %mul3A_485 : i32
        %add3A_487 = arith.constant 16 : i32
        %add3A_488 = arith.addi %mul3A_486, %add3A_487 : i32
        %get3A_489 = arith.index_cast %add3A_488 : i32 to index
        %get3A_490 = tpu.vector_load %arg13[%get3A_489] {strides = array<i32>} : memref<12800xf32, #tpu.memory_space<vmem>>, vector<16xf32>,
        %get3A_491 = vector.shape_cast %get3A_490 : vector<16xf32> to vector<16xf32>
        %get3A_492 = arith.constant 0 : i32
        %get3A_493 = arith.constant 0 : i32
        %get3A_494 = tpu.memref_slice %arg11[%scan3A_170, %scan3A_171, %get3A_492, %get3A_493] : memref<2x3x128x128xf32, #tpu.memory_space<vmem>> -> memref<1x1x128x128xf32, #tpu.memory_space<vmem>>
        %get3A_495 = tpu.memref_squeeze %get3A_494 : memref<1x1x128x128xf32, #tpu.memory_space<vmem>> -> memref<128x128xf32, #tpu.memory_space<vmem>>
        %get3A_496 = arith.index_cast %scan3A_442 : i32 to index
        %get3A_497 = arith.constant 16 : index
        %get3A_498 = tpu.vector_load %get3A_495[%get3A_496, %get3A_497] {strides = array<i32>} : memref<128x128xf32, #tpu.memory_space<vmem>>, vector<1x16xf32>,
        %get3A_499 = vector.shape_cast %get3A_498 : vector<1x16xf32> to vector<16xf32>
        %get3A_500 = arith.constant 0 : i32
        %get3A_501 = arith.constant 0 : i32
        %get3A_502 = tpu.memref_slice %arg11[%scan3A_172, %scan3A_173, %get3A_500, %get3A_501] : memref<2x3x128x128xf32, #tpu.memory_space<vmem>> -> memref<1x1x128x128xf32, #tpu.memory_space<vmem>>
        %get3A_503 = tpu.memref_squeeze %get3A_502 : memref<1x1x128x128xf32, #tpu.memory_space<vmem>> -> memref<128x128xf32, #tpu.memory_space<vmem>>
        %get3A_504 = arith.index_cast %scan3A_442 : i32 to index
        %get3A_505 = arith.constant 16 : index
        %get3A_506 = tpu.vector_load %get3A_503[%get3A_504, %get3A_505] {strides = array<i32>} : memref<128x128xf32, #tpu.memory_space<vmem>>, vector<1x16xf32>,
        %get3A_507 = vector.shape_cast %get3A_506 : vector<1x16xf32> to vector<16xf32>
        %add3A_508 = arith.addf %get3A_499, %get3A_507 : vector<16xf32>
        %get3A_509 = arith.constant 0 : i32
        %get3A_510 = arith.constant 0 : i32
        %get3A_511 = tpu.memref_slice %arg11[%scan3A_174, %scan3A_175, %get3A_509, %get3A_510] : memref<2x3x128x128xf32, #tpu.memory_space<vmem>> -> memref<1x1x128x128xf32, #tpu.memory_space<vmem>>
        %get3A_512 = tpu.memref_squeeze %get3A_511 : memref<1x1x128x128xf32, #tpu.memory_space<vmem>> -> memref<128x128xf32, #tpu.memory_space<vmem>>
        %get3A_513 = arith.index_cast %scan3A_442 : i32 to index
        %get3A_514 = arith.constant 16 : index
        %get3A_515 = tpu.vector_load %get3A_512[%get3A_513, %get3A_514] {strides = array<i32>} : memref<128x128xf32, #tpu.memory_space<vmem>>, vector<1x16xf32>,
        %get3A_516 = vector.shape_cast %get3A_515 : vector<1x16xf32> to vector<16xf32>
        %add3A_517 = arith.addf %add3A_508, %get3A_516 : vector<16xf32>
        %add3A_518 = arith.addf %add3A_517, %get3A_491 : vector<16xf32>
        %mul3A_519 = arith.constant 2.500000e-01 : f32
        %mul3A_520 = vector.broadcast %mul3A_519 : f32 to vector<16xf32>
        %mul3A_521 = arith.mulf %add3A_518, %mul3A_520 : vector<16xf32>
        %swap3A_522 = arith.index_cast %scan3A_442 : i32 to index
        %swap3A_523 = arith.constant 16 : index
        %swap3A_524 = tpu.vector_load %arg12[%swap3A_522, %swap3A_523] {strides = array<i32>} : memref<128x64xf32, #tpu.memory_space<vmem>>, vector<1x16xf32>,
        %swap3A_525 = vector.shape_cast %swap3A_524 : vector<1x16xf32> to vector<16xf32>
        %swap3A_526 = vector.shape_cast %mul3A_521 : vector<16xf32> to vector<1x16xf32>
        tpu.vector_store %arg12[%swap3A_522, %swap3A_523], %swap3A_526 {strides = array<i32>} : memref<128x64xf32, #tpu.memory_space<vmem>>, vector<1x16xf32>,
        %mul3A_527 = arith.constant 64 : i32
        %mul3A_528 = arith.muli %select_n3A_440, %mul3A_527 : i32
        %add3A_529 = arith.constant 32 : i32
        %add3A_530 = arith.addi %mul3A_528, %add3A_529 : i32
        %get3A_531 = arith.index_cast %add3A_530 : i32 to index
        %get3A_532 = tpu.vector_load %arg13[%get3A_531] {strides = array<i32>} : memref<12800xf32, #tpu.memory_space<vmem>>, vector<16xf32>,
        %get3A_533 = vector.shape_cast %get3A_532 : vector<16xf32> to vector<16xf32>
        %get3A_534 = arith.constant 0 : i32
        %get3A_535 = arith.constant 0 : i32
        %get3A_536 = tpu.memref_slice %arg11[%scan3A_170, %scan3A_171, %get3A_534, %get3A_535] : memref<2x3x128x128xf32, #tpu.memory_space<vmem>> -> memref<1x1x128x128xf32, #tpu.memory_space<vmem>>
        %get3A_537 = tpu.memref_squeeze %get3A_536 : memref<1x1x128x128xf32, #tpu.memory_space<vmem>> -> memref<128x128xf32, #tpu.memory_space<vmem>>
        %get3A_538 = arith.index_cast %scan3A_442 : i32 to index
        %get3A_539 = arith.constant 32 : index
        %get3A_540 = tpu.vector_load %get3A_537[%get3A_538, %get3A_539] {strides = array<i32>} : memref<128x128xf32, #tpu.memory_space<vmem>>, vector<1x16xf32>,
        %get3A_541 = vector.shape_cast %get3A_540 : vector<1x16xf32> to vector<16xf32>
        %get3A_542 = arith.constant 0 : i32
        %get3A_543 = arith.constant 0 : i32
        %get3A_544 = tpu.memref_slice %arg11[%scan3A_172, %scan3A_173, %get3A_542, %get3A_543] : memref<2x3x128x128xf32, #tpu.memory_space<vmem>> -> memref<1x1x128x128xf32, #tpu.memory_space<vmem>>
        %get3A_545 = tpu.memref_squeeze %get3A_544 : memref<1x1x128x128xf32, #tpu.memory_space<vmem>> -> memref<128x128xf32, #tpu.memory_space<vmem>>
        %get3A_546 = arith.index_cast %scan3A_442 : i32 to index
        %get3A_547 = arith.constant 32 : index
        %get3A_548 = tpu.vector_load %get3A_545[%get3A_546, %get3A_547] {strides = array<i32>} : memref<128x128xf32, #tpu.memory_space<vmem>>, vector<1x16xf32>,
        %get3A_549 = vector.shape_cast %get3A_548 : vector<1x16xf32> to vector<16xf32>
        %add3A_550 = arith.addf %get3A_541, %get3A_549 : vector<16xf32>
        %get3A_551 = arith.constant 0 : i32
        %get3A_552 = arith.constant 0 : i32
        %get3A_553 = tpu.memref_slice %arg11[%scan3A_174, %scan3A_175, %get3A_551, %get3A_552] : memref<2x3x128x128xf32, #tpu.memory_space<vmem>> -> memref<1x1x128x128xf32, #tpu.memory_space<vmem>>
        %get3A_554 = tpu.memref_squeeze %get3A_553 : memref<1x1x128x128xf32, #tpu.memory_space<vmem>> -> memref<128x128xf32, #tpu.memory_space<vmem>>
        %get3A_555 = arith.index_cast %scan3A_442 : i32 to index
        %get3A_556 = arith.constant 32 : index
        %get3A_557 = tpu.vector_load %get3A_554[%get3A_555, %get3A_556] {strides = array<i32>} : memref<128x128xf32, #tpu.memory_space<vmem>>, vector<1x16xf32>,
        %get3A_558 = vector.shape_cast %get3A_557 : vector<1x16xf32> to vector<16xf32>
        %add3A_559 = arith.addf %add3A_550, %get3A_558 : vector<16xf32>
        %add3A_560 = arith.addf %add3A_559, %get3A_533 : vector<16xf32>
        %mul3A_561 = arith.constant 2.500000e-01 : f32
        %mul3A_562 = vector.broadcast %mul3A_561 : f32 to vector<16xf32>
        %mul3A_563 = arith.mulf %add3A_560, %mul3A_562 : vector<16xf32>
        %swap3A_564 = arith.index_cast %scan3A_442 : i32 to index
        %swap3A_565 = arith.constant 32 : index
        %swap3A_566 = tpu.vector_load %arg12[%swap3A_564, %swap3A_565] {strides = array<i32>} : memref<128x64xf32, #tpu.memory_space<vmem>>, vector<1x16xf32>,
        %swap3A_567 = vector.shape_cast %swap3A_566 : vector<1x16xf32> to vector<16xf32>
        %swap3A_568 = vector.shape_cast %mul3A_563 : vector<16xf32> to vector<1x16xf32>
        tpu.vector_store %arg12[%swap3A_564, %swap3A_565], %swap3A_568 {strides = array<i32>} : memref<128x64xf32, #tpu.memory_space<vmem>>, vector<1x16xf32>,
        %mul3A_569 = arith.constant 64 : i32
        %mul3A_570 = arith.muli %select_n3A_440, %mul3A_569 : i32
        %add3A_571 = arith.constant 48 : i32
        %add3A_572 = arith.addi %mul3A_570, %add3A_571 : i32
        %get3A_573 = arith.index_cast %add3A_572 : i32 to index
        %get3A_574 = tpu.vector_load %arg13[%get3A_573] {strides = array<i32>} : memref<12800xf32, #tpu.memory_space<vmem>>, vector<16xf32>,
        %get3A_575 = vector.shape_cast %get3A_574 : vector<16xf32> to vector<16xf32>
        %get3A_576 = arith.constant 0 : i32
        %get3A_577 = arith.constant 0 : i32
        %get3A_578 = tpu.memref_slice %arg11[%scan3A_170, %scan3A_171, %get3A_576, %get3A_577] : memref<2x3x128x128xf32, #tpu.memory_space<vmem>> -> memref<1x1x128x128xf32, #tpu.memory_space<vmem>>
        %get3A_579 = tpu.memref_squeeze %get3A_578 : memref<1x1x128x128xf32, #tpu.memory_space<vmem>> -> memref<128x128xf32, #tpu.memory_space<vmem>>
        %get3A_580 = arith.index_cast %scan3A_442 : i32 to index
        %get3A_581 = arith.constant 48 : index
        %get3A_582 = tpu.vector_load %get3A_579[%get3A_580, %get3A_581] {strides = array<i32>} : memref<128x128xf32, #tpu.memory_space<vmem>>, vector<1x16xf32>,
        %get3A_583 = vector.shape_cast %get3A_582 : vector<1x16xf32> to vector<16xf32>
        %get3A_584 = arith.constant 0 : i32
        %get3A_585 = arith.constant 0 : i32
        %get3A_586 = tpu.memref_slice %arg11[%scan3A_172, %scan3A_173, %get3A_584, %get3A_585] : memref<2x3x128x128xf32, #tpu.memory_space<vmem>> -> memref<1x1x128x128xf32, #tpu.memory_space<vmem>>
        %get3A_587 = tpu.memref_squeeze %get3A_586 : memref<1x1x128x128xf32, #tpu.memory_space<vmem>> -> memref<128x128xf32, #tpu.memory_space<vmem>>
        %get3A_588 = arith.index_cast %scan3A_442 : i32 to index
        %get3A_589 = arith.constant 48 : index
        %get3A_590 = tpu.vector_load %get3A_587[%get3A_588, %get3A_589] {strides = array<i32>} : memref<128x128xf32, #tpu.memory_space<vmem>>, vector<1x16xf32>,
        %get3A_591 = vector.shape_cast %get3A_590 : vector<1x16xf32> to vector<16xf32>
        %add3A_592 = arith.addf %get3A_583, %get3A_591 : vector<16xf32>
        %get3A_593 = arith.constant 0 : i32
        %get3A_594 = arith.constant 0 : i32
        %get3A_595 = tpu.memref_slice %arg11[%scan3A_174, %scan3A_175, %get3A_593, %get3A_594] : memref<2x3x128x128xf32, #tpu.memory_space<vmem>> -> memref<1x1x128x128xf32, #tpu.memory_space<vmem>>
        %get3A_596 = tpu.memref_squeeze %get3A_595 : memref<1x1x128x128xf32, #tpu.memory_space<vmem>> -> memref<128x128xf32, #tpu.memory_space<vmem>>
        %get3A_597 = arith.index_cast %scan3A_442 : i32 to index
        %get3A_598 = arith.constant 48 : index
        %get3A_599 = tpu.vector_load %get3A_596[%get3A_597, %get3A_598] {strides = array<i32>} : memref<128x128xf32, #tpu.memory_space<vmem>>, vector<1x16xf32>,
        %get3A_600 = vector.shape_cast %get3A_599 : vector<1x16xf32> to vector<16xf32>
        %add3A_601 = arith.addf %add3A_592, %get3A_600 : vector<16xf32>
        %add3A_602 = arith.addf %add3A_601, %get3A_575 : vector<16xf32>
        %mul3A_603 = arith.constant 2.500000e-01 : f32
        %mul3A_604 = vector.broadcast %mul3A_603 : f32 to vector<16xf32>
        %mul3A_605 = arith.mulf %add3A_602, %mul3A_604 : vector<16xf32>
        %swap3A_606 = arith.index_cast %scan3A_442 : i32 to index
        %swap3A_607 = arith.constant 48 : index
        %swap3A_608 = tpu.vector_load %arg12[%swap3A_606, %swap3A_607] {strides = array<i32>} : memref<128x64xf32, #tpu.memory_space<vmem>>, vector<1x16xf32>,
        %swap3A_609 = vector.shape_cast %swap3A_608 : vector<1x16xf32> to vector<16xf32>
        %swap3A_610 = vector.shape_cast %mul3A_605 : vector<16xf32> to vector<1x16xf32>
        tpu.vector_store %arg12[%swap3A_606, %swap3A_607], %swap3A_610 {strides = array<i32>} : memref<128x64xf32, #tpu.memory_space<vmem>>, vector<1x16xf32>,
        %add3A_611 = arith.constant 1 : i32
        %add3A_612 = arith.addi %select_n3A_440, %add3A_611 : i32
        %eq3A_613 = arith.constant 200 : i32
        %eq3A_614 = arith.cmpi eq, %add3A_612, %eq3A_613 : i32
        %select_n3A_615 = arith.constant 0 : i32
        %select_n3A_616 = arith.select %eq3A_614, %select_n3A_615, %add3A_612 : i32
        scf.yield %select_n3A_616 : i32
      }
      %scan3A_181 = arith.constant 128 : i32
      %add3A_182 = arith.addi %mul3A_2, %add3A_117 : i32
      %mul3A_183 = arith.constant 128 : i32
      %mul3A_184 = arith.muli %add3A_182, %mul3A_183 : i32
      %dma_start3A_185 = arith.constant 0 : i32
      %dma_start3A_186 = tpu.memref_slice %arg9[%mul3A_184, %dma_start3A_185] : memref<819200x64xf32, #tpu.memory_space<hbm>> -> memref<128x64xf32, #tpu.memory_space<hbm>>
      %dma_start3A_187 = arith.constant 0 : i32
      %dma_start3A_188 = tpu.memref_slice %arg9[%mul3A_184, %dma_start3A_187] : memref<819200x64xf32, #tpu.memory_space<hbm>> -> memref<128x64xf32, #tpu.memory_space<hbm>>
      tpu.enqueue_dma source(%arg12 : memref<128x64xf32, #tpu.memory_space<vmem>>) target(%dma_start3A_188 : memref<128x64xf32, #tpu.memory_space<hbm>>) target_semaphore(%arg18 : memref<!tpu.dma_semaphore, #tpu.memory_space<semaphore_mem>>)
      %mul3A_189 = arith.constant 2 : i32
      %mul3A_190 = arith.muli %scan3A_113, %mul3A_189 : i32
      %add3A_191 = arith.constant 1 : i32
      %add3A_192 = arith.addi %mul3A_190, %add3A_191 : i32
      %dma_wait3A_193 = arith.constant 1 : i32
      %dma_wait3A_194 = arith.constant 0 : i32
      %dma_wait3A_195 = arith.constant 0 : i32
      %dma_wait3A_196 = arith.constant 0 : i32
      %dma_wait3A_197 = tpu.memref_slice %arg11[%dma_wait3A_193, %dma_wait3A_194, %dma_wait3A_195, %dma_wait3A_196] : memref<2x3x128x128xf32, #tpu.memory_space<vmem>> -> memref<1x1x128x128xf32, #tpu.memory_space<vmem>>
      %dma_wait3A_198 = tpu.memref_squeeze %dma_wait3A_197 : memref<1x1x128x128xf32, #tpu.memory_space<vmem>> -> memref<128x128xf32, #tpu.memory_space<vmem>>
      %dma_wait3A_199 = arith.constant 384 : i32
      %dma_wait3A_200 = tpu.memref_slice %arg10[%dma_wait3A_199] : memref<768xi32, #tpu.memory_space<vmem>> -> memref<128xi32, #tpu.memory_space<vmem>>
      %dma_wait3A_201 = arith.constant 0 : i32
      %dma_wait3A_202 = arith.constant 0 : i32
      %dma_wait3A_203 = tpu.memref_slice %arg5[%dma_wait3A_201, %dma_wait3A_202] : memref<100001x128xf32, #tpu.memory_space<hbm>> -> memref<100001x128xf32, #tpu.memory_space<hbm>>
      tpu.wait_indirect_dma semaphore(%arg17 : memref<!tpu.dma_semaphore, #tpu.memory_space<semaphore_mem>>) src(%dma_wait3A_203 : memref<100001x128xf32, #tpu.memory_space<hbm>>) dst(%dma_wait3A_198 : memref<128x128xf32, #tpu.memory_space<vmem>>)
      %dma_wait3A_204 = arith.constant 1 : i32
      %dma_wait3A_205 = arith.constant 1 : i32
      %dma_wait3A_206 = arith.constant 0 : i32
      %dma_wait3A_207 = arith.constant 0 : i32
      %dma_wait3A_208 = tpu.memref_slice %arg11[%dma_wait3A_204, %dma_wait3A_205, %dma_wait3A_206, %dma_wait3A_207] : memref<2x3x128x128xf32, #tpu.memory_space<vmem>> -> memref<1x1x128x128xf32, #tpu.memory_space<vmem>>
      %dma_wait3A_209 = tpu.memref_squeeze %dma_wait3A_208 : memref<1x1x128x128xf32, #tpu.memory_space<vmem>> -> memref<128x128xf32, #tpu.memory_space<vmem>>
      %dma_wait3A_210 = arith.constant 512 : i32
      %dma_wait3A_211 = tpu.memref_slice %arg10[%dma_wait3A_210] : memref<768xi32, #tpu.memory_space<vmem>> -> memref<128xi32, #tpu.memory_space<vmem>>
      %dma_wait3A_212 = arith.constant 0 : i32
      %dma_wait3A_213 = arith.constant 0 : i32
      %dma_wait3A_214 = tpu.memref_slice %arg6[%dma_wait3A_212, %dma_wait3A_213] : memref<1001x128xf32, #tpu.memory_space<hbm>> -> memref<1001x128xf32, #tpu.memory_space<hbm>>
      tpu.wait_indirect_dma semaphore(%arg17 : memref<!tpu.dma_semaphore, #tpu.memory_space<semaphore_mem>>) src(%dma_wait3A_214 : memref<1001x128xf32, #tpu.memory_space<hbm>>) dst(%dma_wait3A_209 : memref<128x128xf32, #tpu.memory_space<vmem>>)
      %dma_wait3A_215 = arith.constant 1 : i32
      %dma_wait3A_216 = arith.constant 2 : i32
      %dma_wait3A_217 = arith.constant 0 : i32
      %dma_wait3A_218 = arith.constant 0 : i32
      %dma_wait3A_219 = tpu.memref_slice %arg11[%dma_wait3A_215, %dma_wait3A_216, %dma_wait3A_217, %dma_wait3A_218] : memref<2x3x128x128xf32, #tpu.memory_space<vmem>> -> memref<1x1x128x128xf32, #tpu.memory_space<vmem>>
      %dma_wait3A_220 = tpu.memref_squeeze %dma_wait3A_219 : memref<1x1x128x128xf32, #tpu.memory_space<vmem>> -> memref<128x128xf32, #tpu.memory_space<vmem>>
      %dma_wait3A_221 = arith.constant 640 : i32
      %dma_wait3A_222 = tpu.memref_slice %arg10[%dma_wait3A_221] : memref<768xi32, #tpu.memory_space<vmem>> -> memref<128xi32, #tpu.memory_space<vmem>>
      %dma_wait3A_223 = arith.constant 0 : i32
      %dma_wait3A_224 = arith.constant 0 : i32
      %dma_wait3A_225 = tpu.memref_slice %arg7[%dma_wait3A_223, %dma_wait3A_224] : memref<1001x128xf32, #tpu.memory_space<hbm>> -> memref<1001x128xf32, #tpu.memory_space<hbm>>
      tpu.wait_indirect_dma semaphore(%arg17 : memref<!tpu.dma_semaphore, #tpu.memory_space<semaphore_mem>>) src(%dma_wait3A_225 : memref<1001x128xf32, #tpu.memory_space<hbm>>) dst(%dma_wait3A_220 : memref<128x128xf32, #tpu.memory_space<vmem>>)
      %add3A_226 = arith.constant 2 : i32
      %add3A_227 = arith.addi %add3A_192, %add3A_226 : i32
      %lt3A_228 = arith.constant 200 : i32
      %lt3A_229 = arith.cmpi slt, %add3A_227, %lt3A_228 : i32
      %convert_element_type3A_230 = arith.extui %lt3A_229 : i1 to i32
      %cond3A_231 = arith.constant 0 : i32
      %cond3A_232 = arith.cmpi ne, %convert_element_type3A_230, %cond3A_231 : i32
      scf.if %cond3A_232 {
        %add3A_269 = arith.constant 2 : i32
        %add3A_270 = arith.addi %add3A_192, %add3A_269 : i32
        %add3A_271 = arith.addi %mul3A_2, %add3A_270 : i32
        %mul3A_272 = arith.constant 128 : i32
        %mul3A_273 = arith.muli %add3A_271, %mul3A_272 : i32
        %dma_start3A_274 = arith.constant 384 : i32
        %dma_start3A_275 = tpu.memref_slice %arg10[%dma_start3A_274] : memref<768xi32, #tpu.memory_space<vmem>> -> memref<128xi32, #tpu.memory_space<vmem>>
        %dma_start3A_276 = tpu.memref_slice %arg2[%mul3A_273] : memref<819200xi32, #tpu.memory_space<hbm>> -> memref<128xi32, #tpu.memory_space<hbm>>
        %dma_start3A_277 = arith.constant 384 : i32
        %dma_start3A_278 = tpu.memref_slice %arg10[%dma_start3A_277] : memref<768xi32, #tpu.memory_space<vmem>> -> memref<128xi32, #tpu.memory_space<vmem>>
        %dma_start3A_279 = tpu.memref_slice %arg2[%mul3A_273] : memref<819200xi32, #tpu.memory_space<hbm>> -> memref<128xi32, #tpu.memory_space<hbm>>
        tpu.enqueue_dma source(%dma_start3A_279 : memref<128xi32, #tpu.memory_space<hbm>>) target(%dma_start3A_278 : memref<128xi32, #tpu.memory_space<vmem>>) target_semaphore(%arg15 : memref<!tpu.dma_semaphore, #tpu.memory_space<semaphore_mem>>)
        %dma_start3A_280 = arith.constant 512 : i32
        %dma_start3A_281 = tpu.memref_slice %arg10[%dma_start3A_280] : memref<768xi32, #tpu.memory_space<vmem>> -> memref<128xi32, #tpu.memory_space<vmem>>
        %dma_start3A_282 = tpu.memref_slice %arg3[%mul3A_273] : memref<819200xi32, #tpu.memory_space<hbm>> -> memref<128xi32, #tpu.memory_space<hbm>>
        %dma_start3A_283 = arith.constant 512 : i32
        %dma_start3A_284 = tpu.memref_slice %arg10[%dma_start3A_283] : memref<768xi32, #tpu.memory_space<vmem>> -> memref<128xi32, #tpu.memory_space<vmem>>
        %dma_start3A_285 = tpu.memref_slice %arg3[%mul3A_273] : memref<819200xi32, #tpu.memory_space<hbm>> -> memref<128xi32, #tpu.memory_space<hbm>>
        tpu.enqueue_dma source(%dma_start3A_285 : memref<128xi32, #tpu.memory_space<hbm>>) target(%dma_start3A_284 : memref<128xi32, #tpu.memory_space<vmem>>) target_semaphore(%arg15 : memref<!tpu.dma_semaphore, #tpu.memory_space<semaphore_mem>>)
        %dma_start3A_286 = arith.constant 640 : i32
        %dma_start3A_287 = tpu.memref_slice %arg10[%dma_start3A_286] : memref<768xi32, #tpu.memory_space<vmem>> -> memref<128xi32, #tpu.memory_space<vmem>>
        %dma_start3A_288 = tpu.memref_slice %arg4[%mul3A_273] : memref<819200xi32, #tpu.memory_space<hbm>> -> memref<128xi32, #tpu.memory_space<hbm>>
        %dma_start3A_289 = arith.constant 640 : i32
        %dma_start3A_290 = tpu.memref_slice %arg10[%dma_start3A_289] : memref<768xi32, #tpu.memory_space<vmem>> -> memref<128xi32, #tpu.memory_space<vmem>>
        %dma_start3A_291 = tpu.memref_slice %arg4[%mul3A_273] : memref<819200xi32, #tpu.memory_space<hbm>> -> memref<128xi32, #tpu.memory_space<hbm>>
        tpu.enqueue_dma source(%dma_start3A_291 : memref<128xi32, #tpu.memory_space<hbm>>) target(%dma_start3A_290 : memref<128xi32, #tpu.memory_space<vmem>>) target_semaphore(%arg15 : memref<!tpu.dma_semaphore, #tpu.memory_space<semaphore_mem>>)
      } else {
      }
      %add3A_233 = arith.constant 1 : i32
      %add3A_234 = arith.addi %add3A_192, %add3A_233 : i32
      %lt3A_235 = arith.constant 200 : i32
      %lt3A_236 = arith.cmpi slt, %add3A_234, %lt3A_235 : i32
      %convert_element_type3A_237 = arith.extui %lt3A_236 : i1 to i32
      %cond3A_238 = arith.constant 0 : i32
      %cond3A_239 = arith.cmpi ne, %convert_element_type3A_237, %cond3A_238 : i32
      scf.if %cond3A_239 {
        %dma_wait3A_269 = arith.constant 0 : i32
        %dma_wait3A_270 = tpu.memref_slice %arg10[%dma_wait3A_269] : memref<768xi32, #tpu.memory_space<vmem>> -> memref<128xi32, #tpu.memory_space<vmem>>
        %dma_wait3A_271 = arith.constant 0 : i32
        %dma_wait3A_272 = tpu.memref_slice %arg2[%dma_wait3A_271] : memref<819200xi32, #tpu.memory_space<hbm>> -> memref<128xi32, #tpu.memory_space<hbm>>
        %dma_wait3A_273 = arith.constant 0 : i32
        %dma_wait3A_274 = tpu.memref_slice %arg10[%dma_wait3A_273] : memref<768xi32, #tpu.memory_space<vmem>> -> memref<128xi32, #tpu.memory_space<vmem>>
        %dma_wait3A_275 = arith.constant 0 : i32
        %dma_wait3A_276 = tpu.memref_slice %arg2[%dma_wait3A_275] : memref<819200xi32, #tpu.memory_space<hbm>> -> memref<128xi32, #tpu.memory_space<hbm>>
        tpu.wait_dma2 semaphore(%arg14 : memref<!tpu.dma_semaphore, #tpu.memory_space<semaphore_mem>>) src(%dma_wait3A_276 : memref<128xi32, #tpu.memory_space<hbm>>) dst(%dma_wait3A_274 : memref<128xi32, #tpu.memory_space<vmem>>)
        %dma_wait3A_277 = arith.constant 128 : i32
        %dma_wait3A_278 = tpu.memref_slice %arg10[%dma_wait3A_277] : memref<768xi32, #tpu.memory_space<vmem>> -> memref<128xi32, #tpu.memory_space<vmem>>
        %dma_wait3A_279 = arith.constant 0 : i32
        %dma_wait3A_280 = tpu.memref_slice %arg3[%dma_wait3A_279] : memref<819200xi32, #tpu.memory_space<hbm>> -> memref<128xi32, #tpu.memory_space<hbm>>
        %dma_wait3A_281 = arith.constant 128 : i32
        %dma_wait3A_282 = tpu.memref_slice %arg10[%dma_wait3A_281] : memref<768xi32, #tpu.memory_space<vmem>> -> memref<128xi32, #tpu.memory_space<vmem>>
        %dma_wait3A_283 = arith.constant 0 : i32
        %dma_wait3A_284 = tpu.memref_slice %arg3[%dma_wait3A_283] : memref<819200xi32, #tpu.memory_space<hbm>> -> memref<128xi32, #tpu.memory_space<hbm>>
        tpu.wait_dma2 semaphore(%arg14 : memref<!tpu.dma_semaphore, #tpu.memory_space<semaphore_mem>>) src(%dma_wait3A_284 : memref<128xi32, #tpu.memory_space<hbm>>) dst(%dma_wait3A_282 : memref<128xi32, #tpu.memory_space<vmem>>)
        %dma_wait3A_285 = arith.constant 256 : i32
        %dma_wait3A_286 = tpu.memref_slice %arg10[%dma_wait3A_285] : memref<768xi32, #tpu.memory_space<vmem>> -> memref<128xi32, #tpu.memory_space<vmem>>
        %dma_wait3A_287 = arith.constant 0 : i32
        %dma_wait3A_288 = tpu.memref_slice %arg4[%dma_wait3A_287] : memref<819200xi32, #tpu.memory_space<hbm>> -> memref<128xi32, #tpu.memory_space<hbm>>
        %dma_wait3A_289 = arith.constant 256 : i32
        %dma_wait3A_290 = tpu.memref_slice %arg10[%dma_wait3A_289] : memref<768xi32, #tpu.memory_space<vmem>> -> memref<128xi32, #tpu.memory_space<vmem>>
        %dma_wait3A_291 = arith.constant 0 : i32
        %dma_wait3A_292 = tpu.memref_slice %arg4[%dma_wait3A_291] : memref<819200xi32, #tpu.memory_space<hbm>> -> memref<128xi32, #tpu.memory_space<hbm>>
        tpu.wait_dma2 semaphore(%arg14 : memref<!tpu.dma_semaphore, #tpu.memory_space<semaphore_mem>>) src(%dma_wait3A_292 : memref<128xi32, #tpu.memory_space<hbm>>) dst(%dma_wait3A_290 : memref<128xi32, #tpu.memory_space<vmem>>)
        %dma_start3A_293 = arith.constant 0 : i32
        %dma_start3A_294 = arith.constant 0 : i32
        %dma_start3A_295 = arith.constant 0 : i32
        %dma_start3A_296 = arith.constant 0 : i32
        %dma_start3A_297 = tpu.memref_slice %arg11[%dma_start3A_293, %dma_start3A_294, %dma_start3A_295, %dma_start3A_296] : memref<2x3x128x128xf32, #tpu.memory_space<vmem>> -> memref<1x1x128x128xf32, #tpu.memory_space<vmem>>
        %dma_start3A_298 = tpu.memref_squeeze %dma_start3A_297 : memref<1x1x128x128xf32, #tpu.memory_space<vmem>> -> memref<128x128xf32, #tpu.memory_space<vmem>>
        %dma_start3A_299 = arith.constant 0 : i32
        %dma_start3A_300 = tpu.memref_slice %arg10[%dma_start3A_299] : memref<768xi32, #tpu.memory_space<vmem>> -> memref<128xi32, #tpu.memory_space<vmem>>
        %dma_start3A_301 = arith.constant 0 : i32
        %dma_start3A_302 = arith.constant 0 : i32
        %dma_start3A_303 = tpu.memref_slice %arg5[%dma_start3A_301, %dma_start3A_302] : memref<100001x128xf32, #tpu.memory_space<hbm>> -> memref<100001x128xf32, #tpu.memory_space<hbm>>
        tpu.enqueue_indirect_dma source(%dma_start3A_303 : memref<100001x128xf32, #tpu.memory_space<hbm>>) target(%dma_start3A_298 : memref<128x128xf32, #tpu.memory_space<vmem>>) offsets(%dma_start3A_300 : memref<128xi32, #tpu.memory_space<vmem>>) semaphore(%arg16 : memref<!tpu.dma_semaphore, #tpu.memory_space<semaphore_mem>>)
        %dma_start3A_304 = arith.constant 0 : i32
        %dma_start3A_305 = arith.constant 1 : i32
        %dma_start3A_306 = arith.constant 0 : i32
        %dma_start3A_307 = arith.constant 0 : i32
        %dma_start3A_308 = tpu.memref_slice %arg11[%dma_start3A_304, %dma_start3A_305, %dma_start3A_306, %dma_start3A_307] : memref<2x3x128x128xf32, #tpu.memory_space<vmem>> -> memref<1x1x128x128xf32, #tpu.memory_space<vmem>>
        %dma_start3A_309 = tpu.memref_squeeze %dma_start3A_308 : memref<1x1x128x128xf32, #tpu.memory_space<vmem>> -> memref<128x128xf32, #tpu.memory_space<vmem>>
        %dma_start3A_310 = arith.constant 128 : i32
        %dma_start3A_311 = tpu.memref_slice %arg10[%dma_start3A_310] : memref<768xi32, #tpu.memory_space<vmem>> -> memref<128xi32, #tpu.memory_space<vmem>>
        %dma_start3A_312 = arith.constant 0 : i32
        %dma_start3A_313 = arith.constant 0 : i32
        %dma_start3A_314 = tpu.memref_slice %arg6[%dma_start3A_312, %dma_start3A_313] : memref<1001x128xf32, #tpu.memory_space<hbm>> -> memref<1001x128xf32, #tpu.memory_space<hbm>>
        tpu.enqueue_indirect_dma source(%dma_start3A_314 : memref<1001x128xf32, #tpu.memory_space<hbm>>) target(%dma_start3A_309 : memref<128x128xf32, #tpu.memory_space<vmem>>) offsets(%dma_start3A_311 : memref<128xi32, #tpu.memory_space<vmem>>) semaphore(%arg16 : memref<!tpu.dma_semaphore, #tpu.memory_space<semaphore_mem>>)
        %dma_start3A_315 = arith.constant 0 : i32
        %dma_start3A_316 = arith.constant 2 : i32
        %dma_start3A_317 = arith.constant 0 : i32
        %dma_start3A_318 = arith.constant 0 : i32
        %dma_start3A_319 = tpu.memref_slice %arg11[%dma_start3A_315, %dma_start3A_316, %dma_start3A_317, %dma_start3A_318] : memref<2x3x128x128xf32, #tpu.memory_space<vmem>> -> memref<1x1x128x128xf32, #tpu.memory_space<vmem>>
        %dma_start3A_320 = tpu.memref_squeeze %dma_start3A_319 : memref<1x1x128x128xf32, #tpu.memory_space<vmem>> -> memref<128x128xf32, #tpu.memory_space<vmem>>
        %dma_start3A_321 = arith.constant 256 : i32
        %dma_start3A_322 = tpu.memref_slice %arg10[%dma_start3A_321] : memref<768xi32, #tpu.memory_space<vmem>> -> memref<128xi32, #tpu.memory_space<vmem>>
        %dma_start3A_323 = arith.constant 0 : i32
        %dma_start3A_324 = arith.constant 0 : i32
        %dma_start3A_325 = tpu.memref_slice %arg7[%dma_start3A_323, %dma_start3A_324] : memref<1001x128xf32, #tpu.memory_space<hbm>> -> memref<1001x128xf32, #tpu.memory_space<hbm>>
        tpu.enqueue_indirect_dma source(%dma_start3A_325 : memref<1001x128xf32, #tpu.memory_space<hbm>>) target(%dma_start3A_320 : memref<128x128xf32, #tpu.memory_space<vmem>>) offsets(%dma_start3A_322 : memref<128xi32, #tpu.memory_space<vmem>>) semaphore(%arg16 : memref<!tpu.dma_semaphore, #tpu.memory_space<semaphore_mem>>)
      } else {
      }
      %gt3A_240 = arith.constant 0 : i32
      %gt3A_241 = arith.cmpi sgt, %add3A_192, %gt3A_240 : i32
      %convert_element_type3A_242 = arith.extui %gt3A_241 : i1 to i32
      %cond3A_243 = arith.constant 0 : i32
      %cond3A_244 = arith.cmpi ne, %convert_element_type3A_242, %cond3A_243 : i32
      scf.if %cond3A_244 {
        %dma_wait3A_269 = arith.constant 0 : i32
        %dma_wait3A_270 = arith.constant 0 : i32
        %dma_wait3A_271 = tpu.memref_slice %arg9[%dma_wait3A_269, %dma_wait3A_270] : memref<819200x64xf32, #tpu.memory_space<hbm>> -> memref<128x64xf32, #tpu.memory_space<hbm>>
        %dma_wait3A_272 = arith.constant 0 : i32
        %dma_wait3A_273 = arith.constant 0 : i32
        %dma_wait3A_274 = tpu.memref_slice %arg9[%dma_wait3A_272, %dma_wait3A_273] : memref<819200x64xf32, #tpu.memory_space<hbm>> -> memref<128x64xf32, #tpu.memory_space<hbm>>
        tpu.wait_dma2 semaphore(%arg18 : memref<!tpu.dma_semaphore, #tpu.memory_space<semaphore_mem>>) src(%arg12 : memref<128x64xf32, #tpu.memory_space<vmem>>) dst(%dma_wait3A_274 : memref<128x64xf32, #tpu.memory_space<hbm>>)
      } else {
      }
      %add3A_245 = arith.addi %mul3A_2, %add3A_192 : i32
      %mul3A_246 = arith.constant 128 : i32
      %mul3A_247 = arith.muli %add3A_245, %mul3A_246 : i32
      %rem3A_248 = arith.constant 200 : i32
      %rem3A_249 = arith.remsi %mul3A_247, %rem3A_248 : i32
      %scan3A_250 = arith.constant 1 : i32
      %scan3A_251 = arith.constant 0 : i32
      %scan3A_252 = arith.constant 1 : i32
      %scan3A_253 = arith.constant 1 : i32
      %scan3A_254 = arith.constant 1 : i32
      %scan3A_255 = arith.constant 2 : i32
      %scan3A_256 = arith.constant 0 : i32
      %scan3A_257 = arith.constant 128 : i32
      %scan3A_258 = arith.addi %scan3A_256, %scan3A_257 : i32
      %scan3A_259 = arith.constant 2 : i32
      %scan3A_260 = scf.for %scan3A_269 = %scan3A_256 to %scan3A_258 step %scan3A_259 iter_args(%scan3A_270 = %rem3A_249) -> (i32)  : i32 {
        %mul3A_271 = arith.constant 64 : i32
        %mul3A_272 = arith.muli %scan3A_270, %mul3A_271 : i32
        %add3A_273 = arith.constant 0 : i32
        %add3A_274 = arith.addi %mul3A_272, %add3A_273 : i32
        %get3A = arith.index_cast %add3A_274 : i32 to index
        %get3A_275 = tpu.vector_load %arg13[%get3A] {strides = array<i32>} : memref<12800xf32, #tpu.memory_space<vmem>>, vector<16xf32>,
        %get3A_276 = vector.shape_cast %get3A_275 : vector<16xf32> to vector<16xf32>
        %get3A_277 = arith.constant 0 : i32
        %get3A_278 = arith.constant 0 : i32
        %get3A_279 = tpu.memref_slice %arg11[%scan3A_250, %scan3A_251, %get3A_277, %get3A_278] : memref<2x3x128x128xf32, #tpu.memory_space<vmem>> -> memref<1x1x128x128xf32, #tpu.memory_space<vmem>>
        %get3A_280 = tpu.memref_squeeze %get3A_279 : memref<1x1x128x128xf32, #tpu.memory_space<vmem>> -> memref<128x128xf32, #tpu.memory_space<vmem>>
        %get3A_281 = arith.index_cast %scan3A_269 : i32 to index
        %get3A_282 = arith.constant 0 : index
        %get3A_283 = tpu.vector_load %get3A_280[%get3A_281, %get3A_282] {strides = array<i32>} : memref<128x128xf32, #tpu.memory_space<vmem>>, vector<1x16xf32>,
        %get3A_284 = vector.shape_cast %get3A_283 : vector<1x16xf32> to vector<16xf32>
        %get3A_285 = arith.constant 0 : i32
        %get3A_286 = arith.constant 0 : i32
        %get3A_287 = tpu.memref_slice %arg11[%scan3A_252, %scan3A_253, %get3A_285, %get3A_286] : memref<2x3x128x128xf32, #tpu.memory_space<vmem>> -> memref<1x1x128x128xf32, #tpu.memory_space<vmem>>
        %get3A_288 = tpu.memref_squeeze %get3A_287 : memref<1x1x128x128xf32, #tpu.memory_space<vmem>> -> memref<128x128xf32, #tpu.memory_space<vmem>>
        %get3A_289 = arith.index_cast %scan3A_269 : i32 to index
        %get3A_290 = arith.constant 0 : index
        %get3A_291 = tpu.vector_load %get3A_288[%get3A_289, %get3A_290] {strides = array<i32>} : memref<128x128xf32, #tpu.memory_space<vmem>>, vector<1x16xf32>,
        %get3A_292 = vector.shape_cast %get3A_291 : vector<1x16xf32> to vector<16xf32>
        %add3A_293 = arith.addf %get3A_284, %get3A_292 : vector<16xf32>
        %get3A_294 = arith.constant 0 : i32
        %get3A_295 = arith.constant 0 : i32
        %get3A_296 = tpu.memref_slice %arg11[%scan3A_254, %scan3A_255, %get3A_294, %get3A_295] : memref<2x3x128x128xf32, #tpu.memory_space<vmem>> -> memref<1x1x128x128xf32, #tpu.memory_space<vmem>>
        %get3A_297 = tpu.memref_squeeze %get3A_296 : memref<1x1x128x128xf32, #tpu.memory_space<vmem>> -> memref<128x128xf32, #tpu.memory_space<vmem>>
        %get3A_298 = arith.index_cast %scan3A_269 : i32 to index
        %get3A_299 = arith.constant 0 : index
        %get3A_300 = tpu.vector_load %get3A_297[%get3A_298, %get3A_299] {strides = array<i32>} : memref<128x128xf32, #tpu.memory_space<vmem>>, vector<1x16xf32>,
        %get3A_301 = vector.shape_cast %get3A_300 : vector<1x16xf32> to vector<16xf32>
        %add3A_302 = arith.addf %add3A_293, %get3A_301 : vector<16xf32>
        %add3A_303 = arith.addf %add3A_302, %get3A_276 : vector<16xf32>
        %mul3A_304 = arith.constant 2.500000e-01 : f32
        %mul3A_305 = vector.broadcast %mul3A_304 : f32 to vector<16xf32>
        %mul3A_306 = arith.mulf %add3A_303, %mul3A_305 : vector<16xf32>
        %swap3A = arith.index_cast %scan3A_269 : i32 to index
        %swap3A_307 = arith.constant 0 : index
        %swap3A_308 = tpu.vector_load %arg12[%swap3A, %swap3A_307] {strides = array<i32>} : memref<128x64xf32, #tpu.memory_space<vmem>>, vector<1x16xf32>,
        %swap3A_309 = vector.shape_cast %swap3A_308 : vector<1x16xf32> to vector<16xf32>
        %swap3A_310 = vector.shape_cast %mul3A_306 : vector<16xf32> to vector<1x16xf32>
        tpu.vector_store %arg12[%swap3A, %swap3A_307], %swap3A_310 {strides = array<i32>} : memref<128x64xf32, #tpu.memory_space<vmem>>, vector<1x16xf32>,
        %mul3A_311 = arith.constant 64 : i32
        %mul3A_312 = arith.muli %scan3A_270, %mul3A_311 : i32
        %add3A_313 = arith.constant 16 : i32
        %add3A_314 = arith.addi %mul3A_312, %add3A_313 : i32
        %get3A_315 = arith.index_cast %add3A_314 : i32 to index
        %get3A_316 = tpu.vector_load %arg13[%get3A_315] {strides = array<i32>} : memref<12800xf32, #tpu.memory_space<vmem>>, vector<16xf32>,
        %get3A_317 = vector.shape_cast %get3A_316 : vector<16xf32> to vector<16xf32>
        %get3A_318 = arith.constant 0 : i32
        %get3A_319 = arith.constant 0 : i32
        %get3A_320 = tpu.memref_slice %arg11[%scan3A_250, %scan3A_251, %get3A_318, %get3A_319] : memref<2x3x128x128xf32, #tpu.memory_space<vmem>> -> memref<1x1x128x128xf32, #tpu.memory_space<vmem>>
        %get3A_321 = tpu.memref_squeeze %get3A_320 : memref<1x1x128x128xf32, #tpu.memory_space<vmem>> -> memref<128x128xf32, #tpu.memory_space<vmem>>
        %get3A_322 = arith.index_cast %scan3A_269 : i32 to index
        %get3A_323 = arith.constant 16 : index
        %get3A_324 = tpu.vector_load %get3A_321[%get3A_322, %get3A_323] {strides = array<i32>} : memref<128x128xf32, #tpu.memory_space<vmem>>, vector<1x16xf32>,
        %get3A_325 = vector.shape_cast %get3A_324 : vector<1x16xf32> to vector<16xf32>
        %get3A_326 = arith.constant 0 : i32
        %get3A_327 = arith.constant 0 : i32
        %get3A_328 = tpu.memref_slice %arg11[%scan3A_252, %scan3A_253, %get3A_326, %get3A_327] : memref<2x3x128x128xf32, #tpu.memory_space<vmem>> -> memref<1x1x128x128xf32, #tpu.memory_space<vmem>>
        %get3A_329 = tpu.memref_squeeze %get3A_328 : memref<1x1x128x128xf32, #tpu.memory_space<vmem>> -> memref<128x128xf32, #tpu.memory_space<vmem>>
        %get3A_330 = arith.index_cast %scan3A_269 : i32 to index
        %get3A_331 = arith.constant 16 : index
        %get3A_332 = tpu.vector_load %get3A_329[%get3A_330, %get3A_331] {strides = array<i32>} : memref<128x128xf32, #tpu.memory_space<vmem>>, vector<1x16xf32>,
        %get3A_333 = vector.shape_cast %get3A_332 : vector<1x16xf32> to vector<16xf32>
        %add3A_334 = arith.addf %get3A_325, %get3A_333 : vector<16xf32>
        %get3A_335 = arith.constant 0 : i32
        %get3A_336 = arith.constant 0 : i32
        %get3A_337 = tpu.memref_slice %arg11[%scan3A_254, %scan3A_255, %get3A_335, %get3A_336] : memref<2x3x128x128xf32, #tpu.memory_space<vmem>> -> memref<1x1x128x128xf32, #tpu.memory_space<vmem>>
        %get3A_338 = tpu.memref_squeeze %get3A_337 : memref<1x1x128x128xf32, #tpu.memory_space<vmem>> -> memref<128x128xf32, #tpu.memory_space<vmem>>
        %get3A_339 = arith.index_cast %scan3A_269 : i32 to index
        %get3A_340 = arith.constant 16 : index
        %get3A_341 = tpu.vector_load %get3A_338[%get3A_339, %get3A_340] {strides = array<i32>} : memref<128x128xf32, #tpu.memory_space<vmem>>, vector<1x16xf32>,
        %get3A_342 = vector.shape_cast %get3A_341 : vector<1x16xf32> to vector<16xf32>
        %add3A_343 = arith.addf %add3A_334, %get3A_342 : vector<16xf32>
        %add3A_344 = arith.addf %add3A_343, %get3A_317 : vector<16xf32>
        %mul3A_345 = arith.constant 2.500000e-01 : f32
        %mul3A_346 = vector.broadcast %mul3A_345 : f32 to vector<16xf32>
        %mul3A_347 = arith.mulf %add3A_344, %mul3A_346 : vector<16xf32>
        %swap3A_348 = arith.index_cast %scan3A_269 : i32 to index
        %swap3A_349 = arith.constant 16 : index
        %swap3A_350 = tpu.vector_load %arg12[%swap3A_348, %swap3A_349] {strides = array<i32>} : memref<128x64xf32, #tpu.memory_space<vmem>>, vector<1x16xf32>,
        %swap3A_351 = vector.shape_cast %swap3A_350 : vector<1x16xf32> to vector<16xf32>
        %swap3A_352 = vector.shape_cast %mul3A_347 : vector<16xf32> to vector<1x16xf32>
        tpu.vector_store %arg12[%swap3A_348, %swap3A_349], %swap3A_352 {strides = array<i32>} : memref<128x64xf32, #tpu.memory_space<vmem>>, vector<1x16xf32>,
        %mul3A_353 = arith.constant 64 : i32
        %mul3A_354 = arith.muli %scan3A_270, %mul3A_353 : i32
        %add3A_355 = arith.constant 32 : i32
        %add3A_356 = arith.addi %mul3A_354, %add3A_355 : i32
        %get3A_357 = arith.index_cast %add3A_356 : i32 to index
        %get3A_358 = tpu.vector_load %arg13[%get3A_357] {strides = array<i32>} : memref<12800xf32, #tpu.memory_space<vmem>>, vector<16xf32>,
        %get3A_359 = vector.shape_cast %get3A_358 : vector<16xf32> to vector<16xf32>
        %get3A_360 = arith.constant 0 : i32
        %get3A_361 = arith.constant 0 : i32
        %get3A_362 = tpu.memref_slice %arg11[%scan3A_250, %scan3A_251, %get3A_360, %get3A_361] : memref<2x3x128x128xf32, #tpu.memory_space<vmem>> -> memref<1x1x128x128xf32, #tpu.memory_space<vmem>>
        %get3A_363 = tpu.memref_squeeze %get3A_362 : memref<1x1x128x128xf32, #tpu.memory_space<vmem>> -> memref<128x128xf32, #tpu.memory_space<vmem>>
        %get3A_364 = arith.index_cast %scan3A_269 : i32 to index
        %get3A_365 = arith.constant 32 : index
        %get3A_366 = tpu.vector_load %get3A_363[%get3A_364, %get3A_365] {strides = array<i32>} : memref<128x128xf32, #tpu.memory_space<vmem>>, vector<1x16xf32>,
        %get3A_367 = vector.shape_cast %get3A_366 : vector<1x16xf32> to vector<16xf32>
        %get3A_368 = arith.constant 0 : i32
        %get3A_369 = arith.constant 0 : i32
        %get3A_370 = tpu.memref_slice %arg11[%scan3A_252, %scan3A_253, %get3A_368, %get3A_369] : memref<2x3x128x128xf32, #tpu.memory_space<vmem>> -> memref<1x1x128x128xf32, #tpu.memory_space<vmem>>
        %get3A_371 = tpu.memref_squeeze %get3A_370 : memref<1x1x128x128xf32, #tpu.memory_space<vmem>> -> memref<128x128xf32, #tpu.memory_space<vmem>>
        %get3A_372 = arith.index_cast %scan3A_269 : i32 to index
        %get3A_373 = arith.constant 32 : index
        %get3A_374 = tpu.vector_load %get3A_371[%get3A_372, %get3A_373] {strides = array<i32>} : memref<128x128xf32, #tpu.memory_space<vmem>>, vector<1x16xf32>,
        %get3A_375 = vector.shape_cast %get3A_374 : vector<1x16xf32> to vector<16xf32>
        %add3A_376 = arith.addf %get3A_367, %get3A_375 : vector<16xf32>
        %get3A_377 = arith.constant 0 : i32
        %get3A_378 = arith.constant 0 : i32
        %get3A_379 = tpu.memref_slice %arg11[%scan3A_254, %scan3A_255, %get3A_377, %get3A_378] : memref<2x3x128x128xf32, #tpu.memory_space<vmem>> -> memref<1x1x128x128xf32, #tpu.memory_space<vmem>>
        %get3A_380 = tpu.memref_squeeze %get3A_379 : memref<1x1x128x128xf32, #tpu.memory_space<vmem>> -> memref<128x128xf32, #tpu.memory_space<vmem>>
        %get3A_381 = arith.index_cast %scan3A_269 : i32 to index
        %get3A_382 = arith.constant 32 : index
        %get3A_383 = tpu.vector_load %get3A_380[%get3A_381, %get3A_382] {strides = array<i32>} : memref<128x128xf32, #tpu.memory_space<vmem>>, vector<1x16xf32>,
        %get3A_384 = vector.shape_cast %get3A_383 : vector<1x16xf32> to vector<16xf32>
        %add3A_385 = arith.addf %add3A_376, %get3A_384 : vector<16xf32>
        %add3A_386 = arith.addf %add3A_385, %get3A_359 : vector<16xf32>
        %mul3A_387 = arith.constant 2.500000e-01 : f32
        %mul3A_388 = vector.broadcast %mul3A_387 : f32 to vector<16xf32>
        %mul3A_389 = arith.mulf %add3A_386, %mul3A_388 : vector<16xf32>
        %swap3A_390 = arith.index_cast %scan3A_269 : i32 to index
        %swap3A_391 = arith.constant 32 : index
        %swap3A_392 = tpu.vector_load %arg12[%swap3A_390, %swap3A_391] {strides = array<i32>} : memref<128x64xf32, #tpu.memory_space<vmem>>, vector<1x16xf32>,
        %swap3A_393 = vector.shape_cast %swap3A_392 : vector<1x16xf32> to vector<16xf32>
        %swap3A_394 = vector.shape_cast %mul3A_389 : vector<16xf32> to vector<1x16xf32>
        tpu.vector_store %arg12[%swap3A_390, %swap3A_391], %swap3A_394 {strides = array<i32>} : memref<128x64xf32, #tpu.memory_space<vmem>>, vector<1x16xf32>,
        %mul3A_395 = arith.constant 64 : i32
        %mul3A_396 = arith.muli %scan3A_270, %mul3A_395 : i32
        %add3A_397 = arith.constant 48 : i32
        %add3A_398 = arith.addi %mul3A_396, %add3A_397 : i32
        %get3A_399 = arith.index_cast %add3A_398 : i32 to index
        %get3A_400 = tpu.vector_load %arg13[%get3A_399] {strides = array<i32>} : memref<12800xf32, #tpu.memory_space<vmem>>, vector<16xf32>,
        %get3A_401 = vector.shape_cast %get3A_400 : vector<16xf32> to vector<16xf32>
        %get3A_402 = arith.constant 0 : i32
        %get3A_403 = arith.constant 0 : i32
        %get3A_404 = tpu.memref_slice %arg11[%scan3A_250, %scan3A_251, %get3A_402, %get3A_403] : memref<2x3x128x128xf32, #tpu.memory_space<vmem>> -> memref<1x1x128x128xf32, #tpu.memory_space<vmem>>
        %get3A_405 = tpu.memref_squeeze %get3A_404 : memref<1x1x128x128xf32, #tpu.memory_space<vmem>> -> memref<128x128xf32, #tpu.memory_space<vmem>>
        %get3A_406 = arith.index_cast %scan3A_269 : i32 to index
        %get3A_407 = arith.constant 48 : index
        %get3A_408 = tpu.vector_load %get3A_405[%get3A_406, %get3A_407] {strides = array<i32>} : memref<128x128xf32, #tpu.memory_space<vmem>>, vector<1x16xf32>,
        %get3A_409 = vector.shape_cast %get3A_408 : vector<1x16xf32> to vector<16xf32>
        %get3A_410 = arith.constant 0 : i32
        %get3A_411 = arith.constant 0 : i32
        %get3A_412 = tpu.memref_slice %arg11[%scan3A_252, %scan3A_253, %get3A_410, %get3A_411] : memref<2x3x128x128xf32, #tpu.memory_space<vmem>> -> memref<1x1x128x128xf32, #tpu.memory_space<vmem>>
        %get3A_413 = tpu.memref_squeeze %get3A_412 : memref<1x1x128x128xf32, #tpu.memory_space<vmem>> -> memref<128x128xf32, #tpu.memory_space<vmem>>
        %get3A_414 = arith.index_cast %scan3A_269 : i32 to index
        %get3A_415 = arith.constant 48 : index
        %get3A_416 = tpu.vector_load %get3A_413[%get3A_414, %get3A_415] {strides = array<i32>} : memref<128x128xf32, #tpu.memory_space<vmem>>, vector<1x16xf32>,
        %get3A_417 = vector.shape_cast %get3A_416 : vector<1x16xf32> to vector<16xf32>
        %add3A_418 = arith.addf %get3A_409, %get3A_417 : vector<16xf32>
        %get3A_419 = arith.constant 0 : i32
        %get3A_420 = arith.constant 0 : i32
        %get3A_421 = tpu.memref_slice %arg11[%scan3A_254, %scan3A_255, %get3A_419, %get3A_420] : memref<2x3x128x128xf32, #tpu.memory_space<vmem>> -> memref<1x1x128x128xf32, #tpu.memory_space<vmem>>
        %get3A_422 = tpu.memref_squeeze %get3A_421 : memref<1x1x128x128xf32, #tpu.memory_space<vmem>> -> memref<128x128xf32, #tpu.memory_space<vmem>>
        %get3A_423 = arith.index_cast %scan3A_269 : i32 to index
        %get3A_424 = arith.constant 48 : index
        %get3A_425 = tpu.vector_load %get3A_422[%get3A_423, %get3A_424] {strides = array<i32>} : memref<128x128xf32, #tpu.memory_space<vmem>>, vector<1x16xf32>,
        %get3A_426 = vector.shape_cast %get3A_425 : vector<1x16xf32> to vector<16xf32>
        %add3A_427 = arith.addf %add3A_418, %get3A_426 : vector<16xf32>
        %add3A_428 = arith.addf %add3A_427, %get3A_401 : vector<16xf32>
        %mul3A_429 = arith.constant 2.500000e-01 : f32
        %mul3A_430 = vector.broadcast %mul3A_429 : f32 to vector<16xf32>
        %mul3A_431 = arith.mulf %add3A_428, %mul3A_430 : vector<16xf32>
        %swap3A_432 = arith.index_cast %scan3A_269 : i32 to index
        %swap3A_433 = arith.constant 48 : index
        %swap3A_434 = tpu.vector_load %arg12[%swap3A_432, %swap3A_433] {strides = array<i32>} : memref<128x64xf32, #tpu.memory_space<vmem>>, vector<1x16xf32>,
        %swap3A_435 = vector.shape_cast %swap3A_434 : vector<1x16xf32> to vector<16xf32>
        %swap3A_436 = vector.shape_cast %mul3A_431 : vector<16xf32> to vector<1x16xf32>
        tpu.vector_store %arg12[%swap3A_432, %swap3A_433], %swap3A_436 {strides = array<i32>} : memref<128x64xf32, #tpu.memory_space<vmem>>, vector<1x16xf32>,
        %add3A_437 = arith.constant 1 : i32
        %add3A_438 = arith.addi %scan3A_270, %add3A_437 : i32
        %eq3A = arith.constant 200 : i32
        %eq3A_439 = arith.cmpi eq, %add3A_438, %eq3A : i32
        %select_n3A = arith.constant 0 : i32
        %select_n3A_440 = arith.select %eq3A_439, %select_n3A, %add3A_438 : i32
        %scan3A_441 = arith.constant 1 : i32
        %scan3A_442 = arith.addi %scan3A_269, %scan3A_441 : i32
        %mul3A_443 = arith.constant 64 : i32
        %mul3A_444 = arith.muli %select_n3A_440, %mul3A_443 : i32
        %add3A_445 = arith.constant 0 : i32
        %add3A_446 = arith.addi %mul3A_444, %add3A_445 : i32
        %get3A_447 = arith.index_cast %add3A_446 : i32 to index
        %get3A_448 = tpu.vector_load %arg13[%get3A_447] {strides = array<i32>} : memref<12800xf32, #tpu.memory_space<vmem>>, vector<16xf32>,
        %get3A_449 = vector.shape_cast %get3A_448 : vector<16xf32> to vector<16xf32>
        %get3A_450 = arith.constant 0 : i32
        %get3A_451 = arith.constant 0 : i32
        %get3A_452 = tpu.memref_slice %arg11[%scan3A_250, %scan3A_251, %get3A_450, %get3A_451] : memref<2x3x128x128xf32, #tpu.memory_space<vmem>> -> memref<1x1x128x128xf32, #tpu.memory_space<vmem>>
        %get3A_453 = tpu.memref_squeeze %get3A_452 : memref<1x1x128x128xf32, #tpu.memory_space<vmem>> -> memref<128x128xf32, #tpu.memory_space<vmem>>
        %get3A_454 = arith.index_cast %scan3A_442 : i32 to index
        %get3A_455 = arith.constant 0 : index
        %get3A_456 = tpu.vector_load %get3A_453[%get3A_454, %get3A_455] {strides = array<i32>} : memref<128x128xf32, #tpu.memory_space<vmem>>, vector<1x16xf32>,
        %get3A_457 = vector.shape_cast %get3A_456 : vector<1x16xf32> to vector<16xf32>
        %get3A_458 = arith.constant 0 : i32
        %get3A_459 = arith.constant 0 : i32
        %get3A_460 = tpu.memref_slice %arg11[%scan3A_252, %scan3A_253, %get3A_458, %get3A_459] : memref<2x3x128x128xf32, #tpu.memory_space<vmem>> -> memref<1x1x128x128xf32, #tpu.memory_space<vmem>>
        %get3A_461 = tpu.memref_squeeze %get3A_460 : memref<1x1x128x128xf32, #tpu.memory_space<vmem>> -> memref<128x128xf32, #tpu.memory_space<vmem>>
        %get3A_462 = arith.index_cast %scan3A_442 : i32 to index
        %get3A_463 = arith.constant 0 : index
        %get3A_464 = tpu.vector_load %get3A_461[%get3A_462, %get3A_463] {strides = array<i32>} : memref<128x128xf32, #tpu.memory_space<vmem>>, vector<1x16xf32>,
        %get3A_465 = vector.shape_cast %get3A_464 : vector<1x16xf32> to vector<16xf32>
        %add3A_466 = arith.addf %get3A_457, %get3A_465 : vector<16xf32>
        %get3A_467 = arith.constant 0 : i32
        %get3A_468 = arith.constant 0 : i32
        %get3A_469 = tpu.memref_slice %arg11[%scan3A_254, %scan3A_255, %get3A_467, %get3A_468] : memref<2x3x128x128xf32, #tpu.memory_space<vmem>> -> memref<1x1x128x128xf32, #tpu.memory_space<vmem>>
        %get3A_470 = tpu.memref_squeeze %get3A_469 : memref<1x1x128x128xf32, #tpu.memory_space<vmem>> -> memref<128x128xf32, #tpu.memory_space<vmem>>
        %get3A_471 = arith.index_cast %scan3A_442 : i32 to index
        %get3A_472 = arith.constant 0 : index
        %get3A_473 = tpu.vector_load %get3A_470[%get3A_471, %get3A_472] {strides = array<i32>} : memref<128x128xf32, #tpu.memory_space<vmem>>, vector<1x16xf32>,
        %get3A_474 = vector.shape_cast %get3A_473 : vector<1x16xf32> to vector<16xf32>
        %add3A_475 = arith.addf %add3A_466, %get3A_474 : vector<16xf32>
        %add3A_476 = arith.addf %add3A_475, %get3A_449 : vector<16xf32>
        %mul3A_477 = arith.constant 2.500000e-01 : f32
        %mul3A_478 = vector.broadcast %mul3A_477 : f32 to vector<16xf32>
        %mul3A_479 = arith.mulf %add3A_476, %mul3A_478 : vector<16xf32>
        %swap3A_480 = arith.index_cast %scan3A_442 : i32 to index
        %swap3A_481 = arith.constant 0 : index
        %swap3A_482 = tpu.vector_load %arg12[%swap3A_480, %swap3A_481] {strides = array<i32>} : memref<128x64xf32, #tpu.memory_space<vmem>>, vector<1x16xf32>,
        %swap3A_483 = vector.shape_cast %swap3A_482 : vector<1x16xf32> to vector<16xf32>
        %swap3A_484 = vector.shape_cast %mul3A_479 : vector<16xf32> to vector<1x16xf32>
        tpu.vector_store %arg12[%swap3A_480, %swap3A_481], %swap3A_484 {strides = array<i32>} : memref<128x64xf32, #tpu.memory_space<vmem>>, vector<1x16xf32>,
        %mul3A_485 = arith.constant 64 : i32
        %mul3A_486 = arith.muli %select_n3A_440, %mul3A_485 : i32
        %add3A_487 = arith.constant 16 : i32
        %add3A_488 = arith.addi %mul3A_486, %add3A_487 : i32
        %get3A_489 = arith.index_cast %add3A_488 : i32 to index
        %get3A_490 = tpu.vector_load %arg13[%get3A_489] {strides = array<i32>} : memref<12800xf32, #tpu.memory_space<vmem>>, vector<16xf32>,
        %get3A_491 = vector.shape_cast %get3A_490 : vector<16xf32> to vector<16xf32>
        %get3A_492 = arith.constant 0 : i32
        %get3A_493 = arith.constant 0 : i32
        %get3A_494 = tpu.memref_slice %arg11[%scan3A_250, %scan3A_251, %get3A_492, %get3A_493] : memref<2x3x128x128xf32, #tpu.memory_space<vmem>> -> memref<1x1x128x128xf32, #tpu.memory_space<vmem>>
        %get3A_495 = tpu.memref_squeeze %get3A_494 : memref<1x1x128x128xf32, #tpu.memory_space<vmem>> -> memref<128x128xf32, #tpu.memory_space<vmem>>
        %get3A_496 = arith.index_cast %scan3A_442 : i32 to index
        %get3A_497 = arith.constant 16 : index
        %get3A_498 = tpu.vector_load %get3A_495[%get3A_496, %get3A_497] {strides = array<i32>} : memref<128x128xf32, #tpu.memory_space<vmem>>, vector<1x16xf32>,
        %get3A_499 = vector.shape_cast %get3A_498 : vector<1x16xf32> to vector<16xf32>
        %get3A_500 = arith.constant 0 : i32
        %get3A_501 = arith.constant 0 : i32
        %get3A_502 = tpu.memref_slice %arg11[%scan3A_252, %scan3A_253, %get3A_500, %get3A_501] : memref<2x3x128x128xf32, #tpu.memory_space<vmem>> -> memref<1x1x128x128xf32, #tpu.memory_space<vmem>>
        %get3A_503 = tpu.memref_squeeze %get3A_502 : memref<1x1x128x128xf32, #tpu.memory_space<vmem>> -> memref<128x128xf32, #tpu.memory_space<vmem>>
        %get3A_504 = arith.index_cast %scan3A_442 : i32 to index
        %get3A_505 = arith.constant 16 : index
        %get3A_506 = tpu.vector_load %get3A_503[%get3A_504, %get3A_505] {strides = array<i32>} : memref<128x128xf32, #tpu.memory_space<vmem>>, vector<1x16xf32>,
        %get3A_507 = vector.shape_cast %get3A_506 : vector<1x16xf32> to vector<16xf32>
        %add3A_508 = arith.addf %get3A_499, %get3A_507 : vector<16xf32>
        %get3A_509 = arith.constant 0 : i32
        %get3A_510 = arith.constant 0 : i32
        %get3A_511 = tpu.memref_slice %arg11[%scan3A_254, %scan3A_255, %get3A_509, %get3A_510] : memref<2x3x128x128xf32, #tpu.memory_space<vmem>> -> memref<1x1x128x128xf32, #tpu.memory_space<vmem>>
        %get3A_512 = tpu.memref_squeeze %get3A_511 : memref<1x1x128x128xf32, #tpu.memory_space<vmem>> -> memref<128x128xf32, #tpu.memory_space<vmem>>
        %get3A_513 = arith.index_cast %scan3A_442 : i32 to index
        %get3A_514 = arith.constant 16 : index
        %get3A_515 = tpu.vector_load %get3A_512[%get3A_513, %get3A_514] {strides = array<i32>} : memref<128x128xf32, #tpu.memory_space<vmem>>, vector<1x16xf32>,
        %get3A_516 = vector.shape_cast %get3A_515 : vector<1x16xf32> to vector<16xf32>
        %add3A_517 = arith.addf %add3A_508, %get3A_516 : vector<16xf32>
        %add3A_518 = arith.addf %add3A_517, %get3A_491 : vector<16xf32>
        %mul3A_519 = arith.constant 2.500000e-01 : f32
        %mul3A_520 = vector.broadcast %mul3A_519 : f32 to vector<16xf32>
        %mul3A_521 = arith.mulf %add3A_518, %mul3A_520 : vector<16xf32>
        %swap3A_522 = arith.index_cast %scan3A_442 : i32 to index
        %swap3A_523 = arith.constant 16 : index
        %swap3A_524 = tpu.vector_load %arg12[%swap3A_522, %swap3A_523] {strides = array<i32>} : memref<128x64xf32, #tpu.memory_space<vmem>>, vector<1x16xf32>,
        %swap3A_525 = vector.shape_cast %swap3A_524 : vector<1x16xf32> to vector<16xf32>
        %swap3A_526 = vector.shape_cast %mul3A_521 : vector<16xf32> to vector<1x16xf32>
        tpu.vector_store %arg12[%swap3A_522, %swap3A_523], %swap3A_526 {strides = array<i32>} : memref<128x64xf32, #tpu.memory_space<vmem>>, vector<1x16xf32>,
        %mul3A_527 = arith.constant 64 : i32
        %mul3A_528 = arith.muli %select_n3A_440, %mul3A_527 : i32
        %add3A_529 = arith.constant 32 : i32
        %add3A_530 = arith.addi %mul3A_528, %add3A_529 : i32
        %get3A_531 = arith.index_cast %add3A_530 : i32 to index
        %get3A_532 = tpu.vector_load %arg13[%get3A_531] {strides = array<i32>} : memref<12800xf32, #tpu.memory_space<vmem>>, vector<16xf32>,
        %get3A_533 = vector.shape_cast %get3A_532 : vector<16xf32> to vector<16xf32>
        %get3A_534 = arith.constant 0 : i32
        %get3A_535 = arith.constant 0 : i32
        %get3A_536 = tpu.memref_slice %arg11[%scan3A_250, %scan3A_251, %get3A_534, %get3A_535] : memref<2x3x128x128xf32, #tpu.memory_space<vmem>> -> memref<1x1x128x128xf32, #tpu.memory_space<vmem>>
        %get3A_537 = tpu.memref_squeeze %get3A_536 : memref<1x1x128x128xf32, #tpu.memory_space<vmem>> -> memref<128x128xf32, #tpu.memory_space<vmem>>
        %get3A_538 = arith.index_cast %scan3A_442 : i32 to index
        %get3A_539 = arith.constant 32 : index
        %get3A_540 = tpu.vector_load %get3A_537[%get3A_538, %get3A_539] {strides = array<i32>} : memref<128x128xf32, #tpu.memory_space<vmem>>, vector<1x16xf32>,
        %get3A_541 = vector.shape_cast %get3A_540 : vector<1x16xf32> to vector<16xf32>
        %get3A_542 = arith.constant 0 : i32
        %get3A_543 = arith.constant 0 : i32
        %get3A_544 = tpu.memref_slice %arg11[%scan3A_252, %scan3A_253, %get3A_542, %get3A_543] : memref<2x3x128x128xf32, #tpu.memory_space<vmem>> -> memref<1x1x128x128xf32, #tpu.memory_space<vmem>>
        %get3A_545 = tpu.memref_squeeze %get3A_544 : memref<1x1x128x128xf32, #tpu.memory_space<vmem>> -> memref<128x128xf32, #tpu.memory_space<vmem>>
        %get3A_546 = arith.index_cast %scan3A_442 : i32 to index
        %get3A_547 = arith.constant 32 : index
        %get3A_548 = tpu.vector_load %get3A_545[%get3A_546, %get3A_547] {strides = array<i32>} : memref<128x128xf32, #tpu.memory_space<vmem>>, vector<1x16xf32>,
        %get3A_549 = vector.shape_cast %get3A_548 : vector<1x16xf32> to vector<16xf32>
        %add3A_550 = arith.addf %get3A_541, %get3A_549 : vector<16xf32>
        %get3A_551 = arith.constant 0 : i32
        %get3A_552 = arith.constant 0 : i32
        %get3A_553 = tpu.memref_slice %arg11[%scan3A_254, %scan3A_255, %get3A_551, %get3A_552] : memref<2x3x128x128xf32, #tpu.memory_space<vmem>> -> memref<1x1x128x128xf32, #tpu.memory_space<vmem>>
        %get3A_554 = tpu.memref_squeeze %get3A_553 : memref<1x1x128x128xf32, #tpu.memory_space<vmem>> -> memref<128x128xf32, #tpu.memory_space<vmem>>
        %get3A_555 = arith.index_cast %scan3A_442 : i32 to index
        %get3A_556 = arith.constant 32 : index
        %get3A_557 = tpu.vector_load %get3A_554[%get3A_555, %get3A_556] {strides = array<i32>} : memref<128x128xf32, #tpu.memory_space<vmem>>, vector<1x16xf32>,
        %get3A_558 = vector.shape_cast %get3A_557 : vector<1x16xf32> to vector<16xf32>
        %add3A_559 = arith.addf %add3A_550, %get3A_558 : vector<16xf32>
        %add3A_560 = arith.addf %add3A_559, %get3A_533 : vector<16xf32>
        %mul3A_561 = arith.constant 2.500000e-01 : f32
        %mul3A_562 = vector.broadcast %mul3A_561 : f32 to vector<16xf32>
        %mul3A_563 = arith.mulf %add3A_560, %mul3A_562 : vector<16xf32>
        %swap3A_564 = arith.index_cast %scan3A_442 : i32 to index
        %swap3A_565 = arith.constant 32 : index
        %swap3A_566 = tpu.vector_load %arg12[%swap3A_564, %swap3A_565] {strides = array<i32>} : memref<128x64xf32, #tpu.memory_space<vmem>>, vector<1x16xf32>,
        %swap3A_567 = vector.shape_cast %swap3A_566 : vector<1x16xf32> to vector<16xf32>
        %swap3A_568 = vector.shape_cast %mul3A_563 : vector<16xf32> to vector<1x16xf32>
        tpu.vector_store %arg12[%swap3A_564, %swap3A_565], %swap3A_568 {strides = array<i32>} : memref<128x64xf32, #tpu.memory_space<vmem>>, vector<1x16xf32>,
        %mul3A_569 = arith.constant 64 : i32
        %mul3A_570 = arith.muli %select_n3A_440, %mul3A_569 : i32
        %add3A_571 = arith.constant 48 : i32
        %add3A_572 = arith.addi %mul3A_570, %add3A_571 : i32
        %get3A_573 = arith.index_cast %add3A_572 : i32 to index
        %get3A_574 = tpu.vector_load %arg13[%get3A_573] {strides = array<i32>} : memref<12800xf32, #tpu.memory_space<vmem>>, vector<16xf32>,
        %get3A_575 = vector.shape_cast %get3A_574 : vector<16xf32> to vector<16xf32>
        %get3A_576 = arith.constant 0 : i32
        %get3A_577 = arith.constant 0 : i32
        %get3A_578 = tpu.memref_slice %arg11[%scan3A_250, %scan3A_251, %get3A_576, %get3A_577] : memref<2x3x128x128xf32, #tpu.memory_space<vmem>> -> memref<1x1x128x128xf32, #tpu.memory_space<vmem>>
        %get3A_579 = tpu.memref_squeeze %get3A_578 : memref<1x1x128x128xf32, #tpu.memory_space<vmem>> -> memref<128x128xf32, #tpu.memory_space<vmem>>
        %get3A_580 = arith.index_cast %scan3A_442 : i32 to index
        %get3A_581 = arith.constant 48 : index
        %get3A_582 = tpu.vector_load %get3A_579[%get3A_580, %get3A_581] {strides = array<i32>} : memref<128x128xf32, #tpu.memory_space<vmem>>, vector<1x16xf32>,
        %get3A_583 = vector.shape_cast %get3A_582 : vector<1x16xf32> to vector<16xf32>
        %get3A_584 = arith.constant 0 : i32
        %get3A_585 = arith.constant 0 : i32
        %get3A_586 = tpu.memref_slice %arg11[%scan3A_252, %scan3A_253, %get3A_584, %get3A_585] : memref<2x3x128x128xf32, #tpu.memory_space<vmem>> -> memref<1x1x128x128xf32, #tpu.memory_space<vmem>>
        %get3A_587 = tpu.memref_squeeze %get3A_586 : memref<1x1x128x128xf32, #tpu.memory_space<vmem>> -> memref<128x128xf32, #tpu.memory_space<vmem>>
        %get3A_588 = arith.index_cast %scan3A_442 : i32 to index
        %get3A_589 = arith.constant 48 : index
        %get3A_590 = tpu.vector_load %get3A_587[%get3A_588, %get3A_589] {strides = array<i32>} : memref<128x128xf32, #tpu.memory_space<vmem>>, vector<1x16xf32>,
        %get3A_591 = vector.shape_cast %get3A_590 : vector<1x16xf32> to vector<16xf32>
        %add3A_592 = arith.addf %get3A_583, %get3A_591 : vector<16xf32>
        %get3A_593 = arith.constant 0 : i32
        %get3A_594 = arith.constant 0 : i32
        %get3A_595 = tpu.memref_slice %arg11[%scan3A_254, %scan3A_255, %get3A_593, %get3A_594] : memref<2x3x128x128xf32, #tpu.memory_space<vmem>> -> memref<1x1x128x128xf32, #tpu.memory_space<vmem>>
        %get3A_596 = tpu.memref_squeeze %get3A_595 : memref<1x1x128x128xf32, #tpu.memory_space<vmem>> -> memref<128x128xf32, #tpu.memory_space<vmem>>
        %get3A_597 = arith.index_cast %scan3A_442 : i32 to index
        %get3A_598 = arith.constant 48 : index
        %get3A_599 = tpu.vector_load %get3A_596[%get3A_597, %get3A_598] {strides = array<i32>} : memref<128x128xf32, #tpu.memory_space<vmem>>, vector<1x16xf32>,
        %get3A_600 = vector.shape_cast %get3A_599 : vector<1x16xf32> to vector<16xf32>
        %add3A_601 = arith.addf %add3A_592, %get3A_600 : vector<16xf32>
        %add3A_602 = arith.addf %add3A_601, %get3A_575 : vector<16xf32>
        %mul3A_603 = arith.constant 2.500000e-01 : f32
        %mul3A_604 = vector.broadcast %mul3A_603 : f32 to vector<16xf32>
        %mul3A_605 = arith.mulf %add3A_602, %mul3A_604 : vector<16xf32>
        %swap3A_606 = arith.index_cast %scan3A_442 : i32 to index
        %swap3A_607 = arith.constant 48 : index
        %swap3A_608 = tpu.vector_load %arg12[%swap3A_606, %swap3A_607] {strides = array<i32>} : memref<128x64xf32, #tpu.memory_space<vmem>>, vector<1x16xf32>,
        %swap3A_609 = vector.shape_cast %swap3A_608 : vector<1x16xf32> to vector<16xf32>
        %swap3A_610 = vector.shape_cast %mul3A_605 : vector<16xf32> to vector<1x16xf32>
        tpu.vector_store %arg12[%swap3A_606, %swap3A_607], %swap3A_610 {strides = array<i32>} : memref<128x64xf32, #tpu.memory_space<vmem>>, vector<1x16xf32>,
        %add3A_611 = arith.constant 1 : i32
        %add3A_612 = arith.addi %select_n3A_440, %add3A_611 : i32
        %eq3A_613 = arith.constant 200 : i32
        %eq3A_614 = arith.cmpi eq, %add3A_612, %eq3A_613 : i32
        %select_n3A_615 = arith.constant 0 : i32
        %select_n3A_616 = arith.select %eq3A_614, %select_n3A_615, %add3A_612 : i32
        scf.yield %select_n3A_616 : i32
      }
      %scan3A_261 = arith.constant 128 : i32
      %add3A_262 = arith.addi %mul3A_2, %add3A_192 : i32
      %mul3A_263 = arith.constant 128 : i32
      %mul3A_264 = arith.muli %add3A_262, %mul3A_263 : i32
      %dma_start3A_265 = arith.constant 0 : i32
      %dma_start3A_266 = tpu.memref_slice %arg9[%mul3A_264, %dma_start3A_265] : memref<819200x64xf32, #tpu.memory_space<hbm>> -> memref<128x64xf32, #tpu.memory_space<hbm>>
      %dma_start3A_267 = arith.constant 0 : i32
      %dma_start3A_268 = tpu.memref_slice %arg9[%mul3A_264, %dma_start3A_267] : memref<819200x64xf32, #tpu.memory_space<hbm>> -> memref<128x64xf32, #tpu.memory_space<hbm>>
      tpu.enqueue_dma source(%arg12 : memref<128x64xf32, #tpu.memory_space<vmem>>) target(%dma_start3A_268 : memref<128x64xf32, #tpu.memory_space<hbm>>) target_semaphore(%arg18 : memref<!tpu.dma_semaphore, #tpu.memory_space<semaphore_mem>>)
    }
    %scan3A_106 = arith.constant 100 : i32
    %dma_wait3A_107 = arith.constant 0 : i32
    %dma_wait3A_108 = arith.constant 0 : i32
    %dma_wait3A_109 = tpu.memref_slice %arg9[%dma_wait3A_107, %dma_wait3A_108] : memref<819200x64xf32, #tpu.memory_space<hbm>> -> memref<128x64xf32, #tpu.memory_space<hbm>>
    %dma_wait3A_110 = arith.constant 0 : i32
    %dma_wait3A_111 = arith.constant 0 : i32
    %dma_wait3A_112 = tpu.memref_slice %arg9[%dma_wait3A_110, %dma_wait3A_111] : memref<819200x64xf32, #tpu.memory_space<hbm>> -> memref<128x64xf32, #tpu.memory_space<hbm>>
    tpu.wait_dma2 semaphore(%arg18 : memref<!tpu.dma_semaphore, #tpu.memory_space<semaphore_mem>>) src(%arg12 : memref<128x64xf32, #tpu.memory_space<vmem>>) dst(%dma_wait3A_112 : memref<128x64xf32, #tpu.memory_space<hbm>>)
    return
  }
}

</mosaic_0001>

<sc_bundles>
// kernel: kernel.3.cloned.1.call-start
scs
__scs_entry_jumppad:
0x0: {  	(pc) =	sbr.rel $0x88, $3  }
0x1: {  	(tag) =	ssettag $0x0;
	lr =	simm.s32 $0x1  }
0x2: {  	[smem:$0x3F9A] =	sst lr;
	_ =	strace $0xD0000000  }
0x3: {  	_ = 	snop  }
0x4: {  	_ = 	snop  }
0x5: {  	_ = 	snop  }
0x6: {  	_ = 	snop  }
0x7: {  	_ = 	snop  }
__scs_overlays_trampoline_lowered:
0x8: {  	[smem:$0x3FA9] =	sst s0  }
0x9: {  	[smem:$0x3FAA] =	sst s1  }
0xa: {  	[smem:$0x3FAB] =	sst s2  }
0xb: {  	[smem:$0x3FAC] =	sst s3  }
0xc: {  	[smem:$0x3FAD] =	sst s4  }
0xd: {  	[smem:$0x3FAE] =	sst s5  }
0xe: {  	[smem:$0x3FAF] =	sst s6  }
0xf: {  	[smem:$0x3FB0] =	sst s7  }
0x10: {  	[smem:$0x3FB1] =	sst s8  }
0x11: {  	[smem:$0x3FB2] =	sst s9;
	s0 =	simm.s32 @!p0 $0x0  }
0x12: {  	s1 =	sld [smem:$0x3F98];
	s0 =	simm.s32 @p0 $0x1  }
0x13: {  	[smem:$0x3FB3] =	sst s0;
	s0 =	simm.s32 @!p1 $0x0  }
0x14: {  	s2 =	sld [smem:$0x3F97];
	s0 =	simm.s32 @p1 $0x1  }
0x15: {  	[smem:$0x3FB4] =	sst s0;
	s0 =	simm.s32 @!p2 $0x0  }
0x16: {  	s3 =	sld [smem:$0x3FDB];
	s0 =	simm.s32 @p2 $0x1  }
0x17: {  	s4 =	simm.s32 $0x1BF5;
	[smem:$0x3FB6] =	sst s0  }
0x18: {  	s0 =	sld [smem:$0x3F99];
	_ =	swait.ge [sflag:s4], $0x0  }
0x19: {  	s7 =	sld [smem:$0x3F9A]  }
0x1a: {  	s8 =	sadd.s32 $0xFFFFE003, lr  }
0x1b: {  	s9 =	sadd.s32 $0xFFFFFEF7, lr;
	s5 =	simm.s32 $0xFFFFFFFF;
	p2 =	slt.u32 s8, $0xFFFFF086  }
0x1c: {  	p1 =	slt.u32 s9, $0xF7A;
	s5 =	simm.s32 @!p2 $0x0  }
0x1d: {  	s5 =	simm.s32 @p1 $0x1;
	p0 =	seq.s32 s7, s2  }
0x1e: {  	s7 =	smul.u32 @!p0 $0xF7A, s2;
	p2 =	seq.s32 @!p0 s5, $0x0  }
0x1f: {  	s9 =	smul.u32 $0xF7A, s1;
	s8 =	simm.s32 @!p0 $0x1BF5;
	p2 =	por !p2, p0  }
0x20: {  	[sflag:s8] =	ssyncset.s32 @!p0 $0xFFFFF086;
	s6 =	sadd.s32 @!p0 s3, s7;
	s7 =	simm.s32 @!p0 $0x108  }
0x21: {  	s3 =	sadd.s32 s3, s9;
	s6 =	sadd.s32 @!p0 $0x88, s6;
	s7 =	simm.s32 @p2 $0x1082  }
0x22: {  	[simem:s7], [sflag:s8] =	dma.local @!p0 [hbm:s6], $0xF7A  }
0x23: {  	s9 =	sor.u32 $0xD0000000, s2;
	s6 =	simm.s32 $0x108;
	_ =	swait.ge @!p0 [sflag:s8], $0x0  }
0x24: {  	s3 =	sadd.s32 $0x88, s3;
	s6 =	simm.s32 @!p1 $0x1082;
	[sflag:s4] =	ssyncset.s32 $0xFFFFF086  }
0x25: {  	[simem:s6], [sflag:s4] =	dma.local [hbm:s3], $0xF7A  }
0x26: {  	[smem:$0x3F9A] =	sst s1;
	(tag) =	ssettag s2;
	_ =	strace s9  }
0x27: {  	s1 =	sld [smem:$0x3FAA]  }
0x28: {  	s2 =	sld [smem:$0x3FAB]  }
0x29: {  	s4 =	sld [smem:$0x3FAD]  }
0x2a: {  	p0 =	seq.s32 s5, $0x0;
	s5 =	sld [smem:$0x3FAE]  }
0x2b: {  	s6 =	sld [smem:$0x3FAF]  }
0x2c: {  	s7 =	sld [smem:$0x3FB0]  }
0x2d: {  	s3 =	simm.s32 $0x108;
	s8 =	sld [smem:$0x3FB1]  }
0x2e: {  	s3 =	simm.s32 @!p0 $0x1082;
	s9 =	sld [smem:$0x3FB2]  }
0x2f: {  	lr =	sadd.s32 s0, s3;
	s0 =	sld [smem:$0x3FA9]  }
0x30: {  	s3 =	sld [smem:$0x3FAC]  }
0x31: {  	[smem:$0x3FB5] =	sst s10  }
0x32: {  	s10 =	sld [smem:$0x3FB3];
	_ =	sdelay $0x3  }
0x33: {  	p0 =	seq.s32 s10, $0x1;
	s10 =	sld [smem:$0x3FB5];
	_ =	sdelay $0x3  }
0x34: {  	[smem:$0x3FB5] =	sst s10  }
0x35: {  	s10 =	sld [smem:$0x3FB4];
	_ =	sdelay $0x3  }
0x36: {  	p1 =	seq.s32 s10, $0x1;
	s10 =	sld [smem:$0x3FB5];
	_ =	sdelay $0x3  }
0x37: {  	[smem:$0x3FB5] =	sst s10  }
0x38: {  	s10 =	sld [smem:$0x3FB6]  }
0x39: {  	_ = 	snop;
	(pc) =	sbr.ind lr, $3  }
0x3a: {  	_ = 	snop  }
0x3b: {  	_ = 	snop  }
0x3c: {  	p2 =	seq.s32 s10, $0x1;
	s10 =	sld [smem:$0x3FB5]  }
0x3d: {  	_ =	shalt  }
0x3e: {  	_ =	shalt  }
0x3f: {  	_ =	shalt  }
0x40: {  	_ =	shalt  }
0x41: {  	_ =	shalt  }
0x42: {  	_ =	shalt  }
0x43: {  	_ =	shalt  }
0x44: {  	_ =	shalt  }
0x45: {  	_ =	shalt  }
0x46: {  	_ =	shalt  }
0x47: {  	_ =	shalt  }
0x48: {  	_ =	shalt  }
0x49: {  	_ =	shalt  }
0x4a: {  	_ =	shalt  }
0x4b: {  	_ =	shalt  }
0x4c: {  	_ =	shalt  }
0x4d: {  	_ =	shalt  }
0x4e: {  	_ =	shalt  }
0x4f: {  	_ =	shalt  }
0x50: {  	_ =	shalt  }
0x51: {  	_ =	shalt  }
0x52: {  	_ =	shalt  }
0x53: {  	_ =	shalt  }
0x54: {  	_ =	shalt  }
0x55: {  	_ =	shalt  }
0x56: {  	_ =	shalt  }
0x57: {  	_ =	shalt  }
0x58: {  	_ =	shalt  }
0x59: {  	_ =	shalt  }
0x5a: {  	_ =	shalt  }
0x5b: {  	_ =	shalt  }
0x5c: {  	_ =	shalt  }
0x5d: {  	_ =	shalt  }
0x5e: {  	_ =	shalt  }
0x5f: {  	_ =	shalt  }
0x60: {  	_ =	shalt  }
0x61: {  	_ =	shalt  }
0x62: {  	_ =	shalt  }
0x63: {  	_ =	shalt  }
0x64: {  	_ =	shalt  }
0x65: {  	_ =	shalt  }
0x66: {  	_ =	shalt  }
0x67: {  	_ =	shalt  }
0x68: {  	_ =	shalt  }
0x69: {  	_ =	shalt  }
0x6a: {  	_ =	shalt  }
0x6b: {  	_ =	shalt  }
0x6c: {  	_ =	shalt  }
0x6d: {  	_ =	shalt  }
0x6e: {  	_ =	shalt  }
0x6f: {  	_ =	shalt  }
0x70: {  	_ =	shalt  }
0x71: {  	_ =	shalt  }
0x72: {  	_ =	shalt  }
0x73: {  	_ =	shalt  }
0x74: {  	_ =	shalt  }
0x75: {  	_ =	shalt  }
0x76: {  	_ =	shalt  }
0x77: {  	_ =	shalt  }
0x78: {  	_ =	shalt  }
0x79: {  	_ =	shalt  }
0x7a: {  	_ =	shalt  }
0x7b: {  	_ =	shalt  }
0x7c: {  	_ =	shalt  }
0x7d: {  	_ =	shalt  }
0x7e: {  	_ =	shalt  }
0x7f: {  	_ =	shalt  }
0x80: {  	_ =	shalt  }
0x81: {  	_ =	shalt  }
0x82: {  	_ =	shalt  }
0x83: {  	_ =	shalt  }
0x84: {  	_ =	shalt  }
0x85: {  	_ =	shalt  }
0x86: {  	_ =	shalt  }
0x87: {  	_ =	shalt  }
.Lfunc_end0:
.L_simem_size_0:
called_computation.1_lowered:
.L_overlay_start_0:
0x88: {  	s2 =	sld [smem:$0x3FD9]  }
0x89: {  	s3 =	sld [smem:$0x3FFE];
	_ =	sdelay $0x1  }
0x8a: {  	s1 =	srdreg.scid  }
0x8b: {  	s0 =	sand.u32 $0x1, s1  }
0x8c: {  	s16 =	sshll.u32 s0, $0xA;
	s2 =	sadd.s32 s3, s2  }
0x8d: {  	s2 =	sadd.s32 s2, s16  }
0x8e: {  	[smem:$0x3FC1] =	sst s2  }
0x8f: {  	_ = 	snop  }
0x90: {  	(tm) =	ssettm $0x1  }
0x91: {  	s17 =	sld [smem:$0x3FFB];
	_ =	sdelay $0x3  }
0x92: {  	_ =	strace s17  }
0x93: {  	s2 =	sld [smem:$0x3FFC];
	_ =	sdelay $0x3  }
0x94: {  	_ =	strace s2  }
0x95: {  	s2 =	sld [smem:$0x3FFD];
	_ =	sdelay $0x3  }
0x96: {  	_ =	strace s2  }
0x97: {  	_ =	strace $0x8FFFFFFF  }
0x98: {  	s18 =	sld [smem:$0x3FDB];
	_ =	sdelay $0x1  }
0x99: {  	s19 =	simm.s32 $_scs_section_size  }
0x9a: {  	s4 =	simm.s32 $_size__tile_overlayer_lowered;
	s5 =	simm.s32 $_tile_overlayer_lowered  }
0x9b: {  	s22 =	simm.s32 $0x1BFF;
	s21 =	sshll.u32 s5, $0x1;
	s2 =	sadd.s32 s19, s18  }
0x9c: {  	s6 =	simm.s32 $0x0;
	s20 =	sshll.u32 s4, $0x1;
	s4 =	sadd.s32 s21, s2  }
0x9d: {  	[timem:s6], [sflag:s22] =	dma.local [hbm:s4], s20  }
0x9e: {  	_ =	swait.ge [sflag:s22], s20  }
0x9f: {  	s3 =	ssub.s32 $0x0, s20;
	[sflag:s22] =	ssyncset.done $0x0  }
0xa0: {  	[sflag:s22] =	ssyncadd.s32 s3;
	_ =	sdelay $0x1  }
0xa1: {  	s23 =	simm.s32 $0x1B8B  }
0xa2: {  	_ =	swait.ge [sflag:s23], $0x1  }
0xa3: {  	[sflag:s23] =	ssyncset.done $0x0  }
0xa4: {  	s25 =	simm.s32 $0x1B8E;
	s24 =	sld [smem:$0x3FFE];
	[sflag:s23] =	ssyncadd.s32 $0xFFFFFFFF  }
0xa5: {  	s26 =	simm.s32 $execute0_lowered;
	[smem:$0x3FD2] =	sst s25  }
0xa6: {  	s4 =	sshll.u32 s26, $0x1;
	_ =	strace $0x80000046;
	[dreg:$0x1] =	wrdreg $0xFFFFFFFF  }
0xa7: {  	s28 =	simm.s32 $_size_execute0_lowered;
	s2 =	sadd.s32 s2, s4;
	[dreg:$0x0] =	wrdreg $0x0  }
0xa8: {  	s4 =	sshll.u32 s28, $0x1;
	[dreg:$0x2] =	wrdreg s2  }
0xa9: {  	[dreg:$0x3] =	wrdreg s4  }
0xaa: {  	[dreg:$0x4] =	wrdreg $0xC0  }
0xab: {  	_ =	task [dreg:s6], $0x5FFFF  }
0xac: {  	[dreg:$0x1] =	wrdreg $0xFFFFFFFF  }
0xad: {  	[dreg:$0x0] =	wrdreg $0x60  }
0xae: {  	[dreg:$0x2] =	wrdreg s24  }
0xaf: {  	[dreg:$0x3] =	wrdreg $0x9  }
0xb0: {  	_ =	task.clear_ibuf [dreg:s6], $0x4FFFF;
	_ =	strace $0x90000046  }
0xb1: {  	s29 =	simm.s32 $0x9;
	_ =	strace $0x80000048  }
0xb2: {  	_ =	swait.ge [sflag:s29], $0x1  }
0xb3: {  	[sflag:s29] =	ssyncadd.s32 $0xFFFFFFFF  }
0xb4: {  	_ =	strace $0x90000048  }
0xb5: {  	_ =	sfence  }
0xb6: {  	s30 =	sld [smem:$0x0];
	_ =	sdelay $0x2  }
0xb7: {  	s31 =	sshll.u32 s1, $0xD;
	s1 =	sshrl.u32 s1, $0x2  }
0xb8: {  	s3 =	sand.u32 $0x4000, s31;
	s1 =	sadd.s32 s1, s30  }
0xb9: {  	s0 =	sor.u32 s3, s0;
	s1 =	sshll.u32 s1, $0x11  }
0xba: {  	s0 =	sor.u32 s1, s0  }
0xbb: {  	s0 =	sadd.s32 $0x8F2B, s0  }
0xbc: {  	[sflag:s0] =	ssyncadd.remote.s32 $0x1  }
0xbd: {  	_ =	sfence.sel $0xFFFF  }
0xbe: {  	[dreg:$0x0] =	wrdreg $0xFFFFFFFF;
	(pc) =	sbr.abs _section_cstart, $3  }
0xbf: {  	[dreg:$0x1] =	wrdreg $0xFFFFFFFF  }
0xc0: {  	_ =	task.clear_ibuf [dreg:s6], $0x2FFFF;
	_ =	strace $0x9FFFFFFF  }
0xc1: {  	(tm) =	ssettm $0x7FFFFFFF  }
tec
execute0_lowered:
.L_overlay_start_1:
0x0: {  	(tag) =	ssettag $0x1  }
0x1: {  	s0 =	rddreg [dreg:$0x0];
	s1 =	simm.s32 $0x0;
	s3 =	srdreg.scid  }
0x2: {  	s8 =	stileid.u32;
	s28 =	simm.s32 $0x280;
	s14 =	simm.s32 $0x0  }
0x3: {  	[smem:$0x7FF] =	sst s1;
	s2 =	sadd.s32 $0x9600, s0;
	s4 =	sadd.s32 $0x22600, s0  }
0x4: {  	s5 =	sadd.s32 $0x3B600, s0;
	s6 =	sadd.s32 $0x54600, s0;
	s7 =	sadd.s32 $0x1600, s0  }
0x5: {  	s9 =	sshll.u32 s8, $0x1;
	s8 =	sadd.s32 $0x5600, s0;
	s21 =	sadd.s32 $0xE00, s0  }
0x6: {  	s3 =	sand.u32 $0x1, s3;
	s10 =	sadd.s32 $0x1DB200, s0;
	_ =	strace $0x80000047  }
0x7: {  	s11 =	ssub.s32 $0x2, s3;
	s3 =	sor.u32 s3, s9;
	[dreg:$0x2] =	wrdreg s21  }
0x8: {  	s21 =	simm.s32 $0x2;
	s22 =	sshrl.u32 s11, $0x1;
	s12 =	smul.u32 $0xC80, s3  }
0x9: {  	s9 =	simm.s32 $0x18300;
	s23 =	ssub.s32 s11, s22;
	s11 =	smul.u32 $0xC8, s3  }
0xa: {  	s24 =	sadd.s32 s2, s12;
	s25 =	sadd.s32 s4, s12;
	s26 =	sor.u32 $0x10, s12  }
0xb: {  	s29 =	sadd.s32 s5, s12;
	s0 =	smax.u32 s23, $0x1;
	[dreg:$0x3] =	wrdreg s24  }
0xc: {  	s23 =	simm.s32 $0x80;
	s12 =	simm.s32 $0x5;
	[dreg:$0x4] =	wrdreg s25  }
0xd: {  	[dreg:$0x5] =	wrdreg s29;
	s30 =	sadd.s32 s2, s26;
	s31 =	sadd.s32 s4, s26  }
0xe: {  	s3 =	sadd.s32 s5, s26;
	s18 =	sor.u32 $0x2, s11;
	[dreg:$0x9] =	wrdreg s0  }
0xf: {  	s19 =	sor.u32 $0x3, s11;
	s25 =	simm.s32 $0x180;
	[dreg:$0x6] =	wrdreg s30  }
0x10: {  	s26 =	simm.s32 $0x200;
	s0 =	simm.s32 $0x14300;
	[dreg:$0x7] =	wrdreg s31  }
0x11: {  	s24 =	simm.s32 $0x4;
	[dreg:$0x8] =	wrdreg s3;
	s3 =	simm.s32 $0x3  }
.LBB2_1:
0x12: {  	[dreg:$0xa] =	wrdreg s14  }
0x13: {  	s13 =	rddreg [dreg:$0x2];
	s22 =	simm.s32 $0x1C300;
	s29 =	simm.s32 $0x6  }
0x14: {  	[tilespmem:s22], [sflag:$0x6] =	stream.linear.gather [hbm4b:s13+s1], $0x3200, $0x38;
	[tilespmem:$0x1F500] =	vst v63  }
0x15: {  	_ =	swait.ge [sflag:s29], $0x3200  }
0x16: {  	[sflag:s29] =	ssyncset.done $0x0  }
0x17: {  	s30 =	rddreg [dreg:$0x3];
	[sflag:s29] =	ssyncadd.s32 $0xFFFFCE00  }
0x18: {  	[tilespmem:s1], [sflag:$0x1] =	stream.linear.gather [hbm4b:s30+s1], $0x80, $0x38;
	[tilespmem:$0x1F500] =	vst v63  }
0x19: {  	s31 =	rddreg [dreg:$0x4]  }
0x1a: {  	[tilespmem:s23], [sflag:$0x1] =	stream.linear.gather [hbm4b:s31+s1], $0x80, $0x38;
	[tilespmem:$0x1F500] =	vst v63  }
0x1b: {  	s15 =	simm.s32 $0x100;
	s14 =	rddreg [dreg:$0x5]  }
0x1c: {  	[tilespmem:s15], [sflag:$0x1] =	stream.linear.gather [hbm4b:s14+s1], $0x80, $0x38;
	[tilespmem:$0x1F500] =	vst v63  }
0x1d: {  	s16 =	rddreg [dreg:$0x6]  }
0x1e: {  	[tilespmem:s25], [sflag:$0x2] =	stream.linear.gather [hbm4b:s16+s1], $0x80, $0x38;
	[tilespmem:$0x1F500] =	vst v63  }
0x1f: {  	s17 =	rddreg [dreg:$0x7]  }
0x20: {  	[tilespmem:s26], [sflag:$0x2] =	stream.linear.gather [hbm4b:s17+s1], $0x80, $0x38;
	[tilespmem:$0x1F500] =	vst v63  }
0x21: {  	s22 =	simm.s32 $0x1;
	s20 =	rddreg [dreg:$0x8]  }
0x22: {  	[tilespmem:s28], [sflag:$0x2] =	stream.linear.gather [hbm4b:s20+s1], $0x80, $0x38;
	[tilespmem:$0x1F500] =	vst v63  }
0x23: {  	_ =	swait.ge [sflag:s22], $0x80  }
0x24: {  	[sflag:s22] =	ssyncset.done $0x0  }
0x25: {  	[sflag:s22] =	ssyncadd.s32 $0xFFFFFF80  }
0x26: {  	_ =	swait.ge [sflag:s22], $0x80  }
0x27: {  	[sflag:s22] =	ssyncset.done $0x0  }
0x28: {  	[sflag:s22] =	ssyncadd.s32 $0xFFFFFF80  }
0x29: {  	_ =	swait.ge [sflag:s22], $0x80  }
0x2a: {  	[sflag:s22] =	ssyncset.done $0x0  }
0x2b: {  	s29 =	simm.s32 $0x300;
	[sflag:s22] =	ssyncadd.s32 $0xFFFFFF80  }
0x2c: {  	[tilespmem:s29], [sflag:$0x3] =	stream.indirect.gather [hbm4b:s6+s23], $0x80, s1, s23, $0xb8;
	[tilespmem:$0x1F500] =	vst v63  }
0x2d: {  	s30 =	simm.s32 $0x4300  }
0x2e: {  	[tilespmem:s30], [sflag:$0x3] =	stream.indirect.gather [hbm4b:s7+s23], $0x80, s23, s23, $0xb8;
	[tilespmem:$0x1F500] =	vst v63  }
0x2f: {  	s31 =	simm.s32 $0x8300;
	s14 =	simm.s32 $0x0  }
0x30: {  	[tilespmem:s31], [sflag:$0x3] =	stream.indirect.gather [hbm4b:s8+s23], $0x80, s15, s23, $0xb8;
	[tilespmem:$0x1F500] =	vst v63  }
.LBB2_2:
0x31: {  	_ =	swait.ge [sflag:s3], $0x4000  }
0x32: {  	[sflag:s3] =	ssyncset.done $0x0  }
0x33: {  	[sflag:s3] =	ssyncadd.s32 $0xFFFFC000  }
0x34: {  	_ =	swait.ge [sflag:s3], $0x4000  }
0x35: {  	s15 =	sshll.u32 s14, $0x1;
	p0 =	seq.s32 s14, $0x63;
	[sflag:s3] =	ssyncset.done $0x0  }
0x36: {  	s13 =	sadd.s32 @!p0 s15, s18;
	[sflag:s3] =	ssyncadd.s32 $0xFFFFC000  }
0x37: {  	s13 =	sshll.u32 @!p0 s13, $0x4;
	_ =	swait.ge [sflag:s3], $0x4000  }
0x38: {  	s13 =	sand.u32 @!p0 $0x1FFFFFE0, s13;
	[sflag:s3] =	ssyncset.done $0x0  }
0x39: {  	s17 =	simm.s32 @!p0 $0x0;
	s16 =	sadd.s32 @!p0 s2, s13;
	[sflag:s3] =	ssyncadd.s32 $0xFFFFC000  }
0x3a: {  	[tilespmem:s17], [sflag:$0x1] =	stream.linear.gather @!p0 [hbm4b:s16+s17], $0x80, $0x38;
	[tilespmem:$0x1F500] =	vst v63  }
0x3b: {  	s20 =	simm.s32 @!p0 $0x80;
	s16 =	sadd.s32 @!p0 s4, s13  }
0x3c: {  	[tilespmem:s20], [sflag:$0x1] =	stream.linear.gather @!p0 [hbm4b:s16+s17], $0x80, $0x38;
	[tilespmem:$0x1F500] =	vst v63  }
0x3d: {  	s13 =	sadd.s32 @!p0 s5, s13;
	s16 =	simm.s32 @!p0 $0x100  }
0x3e: {  	[tilespmem:s16], [sflag:$0x1] =	stream.linear.gather @!p0 [hbm4b:s13+s17], $0x80, $0x38;
	[tilespmem:$0x1F500] =	vst v63  }
0x3f: {  	_ =	swait.ge [sflag:s21], $0x80  }
0x40: {  	[sflag:s21] =	ssyncset.done $0x0  }
0x41: {  	[sflag:s21] =	ssyncadd.s32 $0xFFFFFF80  }
0x42: {  	_ =	swait.ge [sflag:s21], $0x80  }
0x43: {  	[sflag:s21] =	ssyncset.done $0x0  }
0x44: {  	[sflag:s21] =	ssyncadd.s32 $0xFFFFFF80  }
0x45: {  	_ =	swait.ge [sflag:s21], $0x80  }
0x46: {  	[sflag:s21] =	ssyncset.done $0x0  }
0x47: {  	s20 =	simm.s32 $0xC300;
	[sflag:s21] =	ssyncadd.s32 $0xFFFFFF80  }
0x48: {  	[tilespmem:s20], [sflag:$0x4] =	stream.indirect.gather [hbm4b:s6+s23], $0x80, s25, s23, $0xb8;
	[tilespmem:$0x1F500] =	vst v63  }
0x49: {  	s22 =	simm.s32 $0x10300;
	p1 =	seq.s32 s14, $0x0;
	s16 =	sadd.s32 s11, s15  }
0x4a: {  	[tilespmem:s22], [sflag:$0x4] =	stream.indirect.gather [hbm4b:s7+s23], $0x80, s26, s23, $0xb8;
	[tilespmem:$0x1F500] =	vst v63  }
0x4b: {  	s13 =	simm.s32 @!p1 $0x5;
	s31 =	sshll.u32 s16, $0x7  }
0x4c: {  	[tilespmem:s0], [sflag:$0x4] =	stream.indirect.gather [hbm4b:s8+s23], $0x80, s28, s23, $0xb8;
	[tilespmem:$0x1F500] =	vst v63  }
0x4d: {  	s22 =	smulhi.u32 $0x51EB851F, s31;
	_ =	swait.ge @!p1 [sflag:s13], $0x4000  }
0x4e: {  	[sflag:s13] =	ssyncset.done @!p1 $0x0  }
0x4f: {  	s20 =	simm.s32 $0x0;
	s17 =	sshrl.u32 s22, $0x6;
	[sflag:s13] =	ssyncadd.s32 @!p1 $0xFFFFC000  }
0x50: {  	s17 =	smul.u32 $0xC8, s17;
	v5 =	vld [tilespmem:s20+$0x300]  }
0x51: {  	v6 =	vld [tilespmem:s20+$0x4300]  }
0x52: {  	s13 =	ssub.s32 s31, s17  }
0x53: {  	v3 =	vld [tilespmem:s20+$0x8300];
	s17 =	sshll.u32 s13, $0x8  }
0x54: {  	s17 =	sshra.s32 s17, $0x2  }
0x55: {  	v10 =	vld [tilespmem:s17+$0x1C300]  }
0x56: {  	v5 =	vadd.f32 v6, v5;
	_ =	sdelay $0x1  }
0x57: {  	v3 =	vadd.f32 v3, v5;
	_ =	sdelay $0x1  }
0x58: {  	v11 =	vld [tilespmem:s20+$0x4310];
	v3 =	vadd.f32 v3, v10  }
0x59: {  	v62 =	vld [tilespmem:s20+$0x310]  }
0x5a: {  	v3 =	vmul.f32 $2.500000000e-01, v3  }
0x5b: {  	v15 =	vld [tilespmem:s20+$0x8310]  }
0x5c: {  	[tilespmem:s20+$0x18300] =	vst v3  }
0x5d: {  	v3 =	vld [tilespmem:s17+$0x1C310]  }
0x5e: {  	v10 =	vadd.f32 v11, v62;
	_ =	sdelay $0x1  }
0x5f: {  	v10 =	vadd.f32 v15, v10;
	_ =	sdelay $0x1  }
0x60: {  	v0 =	vld [tilespmem:s20+$0x4320];
	v3 =	vadd.f32 v10, v3  }
0x61: {  	v2 =	vld [tilespmem:s20+$0x320]  }
0x62: {  	v3 =	vmul.f32 $2.500000000e-01, v3  }
0x63: {  	v63 =	vld [tilespmem:s20+$0x8320]  }
0x64: {  	[tilespmem:s20+$0x18310] =	vst v3  }
0x65: {  	v3 =	vld [tilespmem:s17+$0x1C320]  }
0x66: {  	v0 =	vadd.f32 v0, v2;
	_ =	sdelay $0x1  }
0x67: {  	v0 =	vadd.f32 v63, v0;
	_ =	sdelay $0x1  }
0x68: {  	v7 =	vld [tilespmem:s20+$0x4330];
	v0 =	vadd.f32 v0, v3  }
0x69: {  	v8 =	vld [tilespmem:s20+$0x330]  }
0x6a: {  	v0 =	vmul.f32 $2.500000000e-01, v0  }
0x6b: {  	v2 =	vld [tilespmem:s20+$0x8330]  }
0x6c: {  	[tilespmem:s20+$0x18320] =	vst v0  }
0x6d: {  	v0 =	vld [tilespmem:s17+$0x1C330]  }
0x6e: {  	v3 =	vadd.f32 v7, v8;
	_ =	sdelay $0x1  }
0x6f: {  	v2 =	vadd.f32 v2, v3;
	_ =	sdelay $0x1  }
0x70: {  	v4 =	vld [tilespmem:s20+$0x4380];
	s13 =	sadd.s32 $0x1, s13;
	v0 =	vadd.f32 v2, v0  }
0x71: {  	v9 =	vld [tilespmem:s20+$0x380];
	p1 =	seq.s32 s13, $0xC8  }
0x72: {  	s13 =	simm.s32 @p1 $0x0;
	v0 =	vmul.f32 $2.500000000e-01, v0  }
0x73: {  	s31 =	sshll.u32 s13, $0x8;
	v2 =	vld [tilespmem:s20+$0x8380]  }
0x74: {  	s31 =	sshra.s32 s31, $0x2;
	[tilespmem:s20+$0x18330] =	vst v0  }
0x75: {  	v0 =	vld [tilespmem:s31+$0x1C300]  }
0x76: {  	v3 =	vadd.f32 v4, v9;
	_ =	sdelay $0x1  }
0x77: {  	v2 =	vadd.f32 v2, v3;
	_ =	sdelay $0x1  }
0x78: {  	v6 =	vld [tilespmem:s20+$0x390];
	v0 =	vadd.f32 v2, v0  }
0x79: {  	v5 =	vld [tilespmem:s20+$0x4390]  }
0x7a: {  	v0 =	vmul.f32 $2.500000000e-01, v0  }
0x7b: {  	v2 =	vld [tilespmem:s20+$0x8390]  }
0x7c: {  	[tilespmem:s20+$0x18380] =	vst v0  }
0x7d: {  	v0 =	vld [tilespmem:s31+$0x1C310]  }
0x7e: {  	v3 =	vadd.f32 v5, v6;
	_ =	sdelay $0x1  }
0x7f: {  	v2 =	vadd.f32 v2, v3;
	_ =	sdelay $0x1  }
0x80: {  	v12 =	vld [tilespmem:s20+$0x3A0];
	v0 =	vadd.f32 v2, v0  }
0x81: {  	v13 =	vld [tilespmem:s20+$0x43A0]  }
0x82: {  	v0 =	vmul.f32 $2.500000000e-01, v0  }
0x83: {  	v2 =	vld [tilespmem:s20+$0x83A0]  }
0x84: {  	[tilespmem:s20+$0x18390] =	vst v0  }
0x85: {  	v0 =	vld [tilespmem:s31+$0x1C320]  }
0x86: {  	v3 =	vadd.f32 v13, v12;
	_ =	sdelay $0x1  }
0x87: {  	v2 =	vadd.f32 v2, v3  }
0x88: {  	v1 =	vld [tilespmem:s20+$0x43B0]  }
0x89: {  	v14 =	vld [tilespmem:s20+$0x3B0];
	v0 =	vadd.f32 v2, v0;
	_ =	sdelay $0x1  }
0x8a: {  	s30 =	simm.s32 $0x100;
	v3 =	vld [tilespmem:s20+$0x83B0];
	v4 =	vmul.f32 $2.500000000e-01, v0  }
0x8b: {  	s22 =	sadd.s32 $0x1, s13;
	v2 =	vld [tilespmem:s30+$0x4320]  }
0x8c: {  	s29 =	simm.s32 $0x2;
	p1 =	seq.s32 s22, $0xC8;
	v0 =	vld [tilespmem:s30+$0x43B0];
	[tilespmem:s20+$0x183A0] =	vst v4  }
0x8d: {  	s13 =	simm.s32 $0x400;
	v1 =	vadd.f32 v1, v14;
	s22 =	simm.s32 @p1 $0x0;
	s17 =	sor.u32 $0x1, s15;
	v4 =	vld [tilespmem:s31+$0x1C330]  }
.LBB2_3:
0x8e: {  	s29 =	sadd.s32 $0x2, s29;
	v5 =	vld [tilespmem:s30+$0x320]  }
0x8f: {  	p1 =	slt.u32 s29, $0x7E;
	v6 =	vld [tilespmem:s30+$0x8300];
	v1 =	vadd.f32 v3, v1  }
0x90: {  	v3 =	vld [tilespmem:s30+$0x4380]  }
0x91: {  	v7 =	vld [tilespmem:s30+$0x300]  }
0x92: {  	v8 =	vld [tilespmem:s30+$0x4300];
	v1 =	vadd.f32 v1, v4  }
0x93: {  	v4 =	vld [tilespmem:s30+$0x4330]  }
0x94: {  	v9 =	vld [tilespmem:s30+$0x330];
	v1 =	vmul.f32 $2.500000000e-01, v1  }
0x95: {  	s31 =	sshll.u32 s22, $0x8;
	v10 =	vld [tilespmem:s30+$0x380]  }
0x96: {  	s31 =	sshra.s32 s31, $0x2;
	v11 =	vld [tilespmem:s30+$0x4310];
	[tilespmem:s20+$0x183B0] =	vst v1;
	s20 =	smov.u32 s30  }
0x97: {  	v2 =	vadd.f32 v2, v5;
	v1 =	vld [tilespmem:s31+$0x1C300];
	v7 =	vadd.f32 v8, v7  }
0x98: {  	v5 =	vld [tilespmem:s20+$0x390]  }
0x99: {  	v6 =	vadd.f32 v6, v7;
	v4 =	vadd.f32 v4, v9;
	v7 =	vld [tilespmem:s20+$0x4390]  }
0x9a: {  	v3 =	vadd.f32 v3, v10;
	v8 =	vld [tilespmem:s20+$0x3A0]  }
0x9b: {  	v9 =	vld [tilespmem:s20+$0x43A0]  }
0x9c: {  	v1 =	vadd.f32 v6, v1;
	v6 =	vld [tilespmem:s20+$0x310]  }
0x9d: {  	v10 =	vld [tilespmem:s20+$0x3B0]  }
0x9e: {  	v1 =	vmul.f32 $2.500000000e-01, v1;
	v12 =	vld [tilespmem:s20+$0x8310];
	v5 =	vadd.f32 v7, v5;
	_ =	sdelay $0x1  }
0x9f: {  	[tilespmem:s20+$0x18300] =	vst v1;
	v7 =	vld [tilespmem:s20+$0x8320];
	v8 =	vadd.f32 v9, v8  }
0xa0: {  	v9 =	vld [tilespmem:s31+$0x1C310];
	v6 =	vadd.f32 v11, v6  }
0xa1: {  	v1 =	vadd.f32 v0, v10  }
0xa2: {  	v0 =	vadd.f32 v12, v6;
	_ =	sdelay $0x2  }
0xa3: {  	v2 =	vadd.f32 v7, v2;
	v0 =	vadd.f32 v0, v9;
	_ =	sdelay $0x1  }
0xa4: {  	v0 =	vmul.f32 $2.500000000e-01, v0;
	_ =	sdelay $0x1  }
0xa5: {  	[tilespmem:s20+$0x18310] =	vst v0;
	v0 =	vld [tilespmem:s20+$0x8330]  }
0xa6: {  	v6 =	vld [tilespmem:s31+$0x1C320];
	_ =	sdelay $0x4  }
0xa7: {  	v0 =	vadd.f32 v0, v4;
	v2 =	vadd.f32 v2, v6;
	_ =	sdelay $0x1  }
0xa8: {  	v2 =	vmul.f32 $2.500000000e-01, v2;
	_ =	sdelay $0x1  }
0xa9: {  	[tilespmem:s20+$0x18320] =	vst v2  }
0xaa: {  	v2 =	vld [tilespmem:s31+$0x1C330];
	_ =	sdelay $0x4  }
0xab: {  	s22 =	sadd.s32 $0x1, s22;
	v0 =	vadd.f32 v0, v2  }
0xac: {  	p2 =	seq.s32 s22, $0xC8  }
0xad: {  	s22 =	simm.s32 @p2 $0x0;
	v0 =	vmul.f32 $2.500000000e-01, v0;
	v2 =	vld [tilespmem:s20+$0x8380]  }
0xae: {  	s30 =	sshll.u32 s22, $0x8;
	s22 =	sadd.s32 $0x1, s22  }
0xaf: {  	p2 =	seq.s32 s22, $0xC8;
	s31 =	sshra.s32 s30, $0x2;
	[tilespmem:s20+$0x18330] =	vst v0  }
0xb0: {  	s22 =	simm.s32 @p2 $0x0;
	v0 =	vld [tilespmem:s31+$0x1C300];
	_ =	sdelay $0x1  }
0xb1: {  	v2 =	vadd.f32 v2, v3;
	_ =	sdelay $0x2  }
0xb2: {  	v0 =	vadd.f32 v2, v0;
	_ =	sdelay $0x1  }
0xb3: {  	v0 =	vmul.f32 $2.500000000e-01, v0;
	v2 =	vld [tilespmem:s20+$0x8390];
	_ =	sdelay $0x1  }
0xb4: {  	[tilespmem:s20+$0x18380] =	vst v0  }
0xb5: {  	v0 =	vld [tilespmem:s31+$0x1C310];
	_ =	sdelay $0x1  }
0xb6: {  	v2 =	vadd.f32 v2, v5;
	_ =	sdelay $0x2  }
0xb7: {  	v0 =	vadd.f32 v2, v0;
	_ =	sdelay $0x1  }
0xb8: {  	v0 =	vmul.f32 $2.500000000e-01, v0;
	v2 =	vld [tilespmem:s20+$0x83A0];
	_ =	sdelay $0x1  }
0xb9: {  	[tilespmem:s20+$0x18390] =	vst v0  }
0xba: {  	v0 =	vld [tilespmem:s31+$0x1C320];
	_ =	sdelay $0x1  }
0xbb: {  	v2 =	vadd.f32 v2, v8;
	_ =	sdelay $0x2  }
0xbc: {  	v0 =	vadd.f32 v2, v0  }
.Ltmp0:
0xbd: {  	s13 =	sadd.s32 $0x400, s13;
	(pc) =	sbr.rel @p1 .LBB2_3-.Ltmp0, $4  }
0xbe: {  	s30 =	sshra.s32 s13, $0x2;
	v4 =	vmul.f32 $2.500000000e-01, v0;
	v3 =	vld [tilespmem:s20+$0x83B0]  }
0xbf: {  	v0 =	vld [tilespmem:s30+$0x43B0]  }
0xc0: {  	v2 =	vld [tilespmem:s30+$0x4320];
	[tilespmem:s20+$0x183A0] =	vst v4  }
0xc1: {  	v4 =	vld [tilespmem:s31+$0x1C330]  }
0xc2: {  	v5 =	vld [tilespmem:s30+$0x320]  }
0xc3: {  	v6 =	vld [tilespmem:s30+$0x8300]  }
0xc4: {  	v7 =	vld [tilespmem:s30+$0x4380];
	v1 =	vadd.f32 v3, v1  }
0xc5: {  	v8 =	vld [tilespmem:s30+$0x4300]  }
0xc6: {  	v9 =	vld [tilespmem:s30+$0x330];
	v1 =	vadd.f32 v1, v4  }
0xc7: {  	v3 =	vld [tilespmem:s30+$0x300]  }
0xc8: {  	v10 =	vld [tilespmem:s30+$0x380];
	v1 =	vmul.f32 $2.500000000e-01, v1  }
0xc9: {  	s13 =	sshll.u32 s22, $0x8;
	v11 =	vld [tilespmem:s30+$0x4310]  }
0xca: {  	s13 =	sshra.s32 s13, $0x2;
	v4 =	vld [tilespmem:s30+$0x4330];
	[tilespmem:s20+$0x183B0] =	vst v1  }
0xcb: {  	v1 =	vld [tilespmem:s13+$0x1C300]  }
0xcc: {  	v3 =	vadd.f32 v8, v3;
	_ =	sdelay $0x1  }
0xcd: {  	v3 =	vadd.f32 v6, v3;
	_ =	sdelay $0x1  }
0xce: {  	v1 =	vadd.f32 v3, v1  }
0xcf: {  	v3 =	vld [tilespmem:s30+$0x310]  }
0xd0: {  	v1 =	vmul.f32 $2.500000000e-01, v1  }
0xd1: {  	v15 =	vld [tilespmem:s30+$0x8310]  }
0xd2: {  	[tilespmem:s30+$0x18300] =	vst v1  }
0xd3: {  	v1 =	vld [tilespmem:s13+$0x1C310]  }
0xd4: {  	v3 =	vadd.f32 v11, v3;
	_ =	sdelay $0x1  }
0xd5: {  	v3 =	vadd.f32 v15, v3;
	_ =	sdelay $0x1  }
0xd6: {  	v1 =	vadd.f32 v3, v1;
	_ =	sdelay $0x1  }
0xd7: {  	v1 =	vmul.f32 $2.500000000e-01, v1  }
0xd8: {  	v3 =	vld [tilespmem:s30+$0x8320]  }
0xd9: {  	[tilespmem:s30+$0x18310] =	vst v1  }
0xda: {  	v1 =	vld [tilespmem:s13+$0x1C320]  }
0xdb: {  	v2 =	vadd.f32 v2, v5;
	_ =	sdelay $0x1  }
0xdc: {  	v2 =	vadd.f32 v3, v2;
	_ =	sdelay $0x1  }
0xdd: {  	v1 =	vadd.f32 v2, v1;
	_ =	sdelay $0x1  }
0xde: {  	v1 =	vmul.f32 $2.500000000e-01, v1  }
0xdf: {  	v2 =	vld [tilespmem:s30+$0x8330]  }
0xe0: {  	[tilespmem:s30+$0x18320] =	vst v1  }
0xe1: {  	v1 =	vld [tilespmem:s13+$0x1C330]  }
0xe2: {  	v3 =	vadd.f32 v4, v9;
	_ =	sdelay $0x1  }
0xe3: {  	v2 =	vadd.f32 v2, v3;
	_ =	sdelay $0x1  }
0xe4: {  	s13 =	sadd.s32 $0x1, s22;
	v1 =	vadd.f32 v2, v1  }
0xe5: {  	p1 =	seq.s32 s13, $0xC8  }
0xe6: {  	s13 =	simm.s32 @p1 $0x0;
	v1 =	vmul.f32 $2.500000000e-01, v1  }
0xe7: {  	s13 =	sshll.u32 s13, $0x8;
	v2 =	vld [tilespmem:s30+$0x8380]  }
0xe8: {  	s13 =	sshra.s32 s13, $0x2;
	[tilespmem:s30+$0x18330] =	vst v1  }
0xe9: {  	v1 =	vld [tilespmem:s13+$0x1C300]  }
0xea: {  	v3 =	vadd.f32 v7, v10;
	_ =	sdelay $0x1  }
0xeb: {  	v2 =	vadd.f32 v2, v3;
	_ =	sdelay $0x1  }
0xec: {  	v53 =	vld [tilespmem:s30+$0x390];
	v1 =	vadd.f32 v2, v1  }
0xed: {  	v6 =	vld [tilespmem:s30+$0x4390]  }
0xee: {  	v1 =	vmul.f32 $2.500000000e-01, v1  }
0xef: {  	v2 =	vld [tilespmem:s30+$0x8390]  }
0xf0: {  	[tilespmem:s30+$0x18380] =	vst v1  }
0xf1: {  	v1 =	vld [tilespmem:s13+$0x1C310]  }
0xf2: {  	v3 =	vadd.f32 v6, v53;
	_ =	sdelay $0x1  }
0xf3: {  	v2 =	vadd.f32 v2, v3;
	_ =	sdelay $0x1  }
0xf4: {  	v12 =	vld [tilespmem:s30+$0x3A0];
	v1 =	vadd.f32 v2, v1  }
0xf5: {  	v13 =	vld [tilespmem:s30+$0x43A0]  }
0xf6: {  	v1 =	vmul.f32 $2.500000000e-01, v1  }
0xf7: {  	v2 =	vld [tilespmem:s30+$0x83A0]  }
0xf8: {  	[tilespmem:s30+$0x18390] =	vst v1  }
0xf9: {  	v1 =	vld [tilespmem:s13+$0x1C320]  }
0xfa: {  	v3 =	vadd.f32 v13, v12;
	_ =	sdelay $0x1  }
0xfb: {  	v2 =	vadd.f32 v2, v3;
	_ =	sdelay $0x1  }
0xfc: {  	v1 =	vadd.f32 v2, v1  }
0xfd: {  	v14 =	vld [tilespmem:s30+$0x3B0]  }
0xfe: {  	v1 =	vmul.f32 $2.500000000e-01, v1  }
0xff: {  	v2 =	vld [tilespmem:s30+$0x83B0]  }
0x100: {  	[tilespmem:s30+$0x183A0] =	vst v1  }
0x101: {  	v1 =	vld [tilespmem:s13+$0x1C330]  }
0x102: {  	v0 =	vadd.f32 v0, v14;
	_ =	sdelay $0x1  }
0x103: {  	v0 =	vadd.f32 v2, v0;
	_ =	sdelay $0x1  }
0x104: {  	v0 =	vadd.f32 v0, v1;
	_ =	sdelay $0x1  }
0x105: {  	v0 =	vmul.f32 $2.500000000e-01, v0  }
0x106: {  	s22 =	sshll.u32 s16, $0xB  }
0x107: {  	s13 =	sadd.s32 s10, s22;
	[tilespmem:s30+$0x183B0] =	vst v0  }
0x108: {  	[hbm4b:s13+s1] =	stream.linear.scatter [tilespmem:s9], [sflag:$0x5], $0x4000, $0x38;
	[tilespmem:$0x1F500] =	vst v63  }
0x109: {  	_ =	swait.ge [sflag:s24], $0x4000  }
0x10a: {  	[sflag:s24] =	ssyncset.done $0x0  }
0x10b: {  	[sflag:s24] =	ssyncadd.s32 $0xFFFFC000  }
0x10c: {  	_ =	swait.ge [sflag:s24], $0x4000  }
0x10d: {  	[sflag:s24] =	ssyncset.done $0x0  }
0x10e: {  	s13 =	sadd.s32 @!p0 s15, s19;
	[sflag:s24] =	ssyncadd.s32 $0xFFFFC000  }
0x10f: {  	s13 =	sshll.u32 @!p0 s13, $0x4;
	_ =	swait.ge [sflag:s24], $0x4000  }
0x110: {  	s20 =	simm.s32 @!p0 $0x180;
	s13 =	sand.u32 @!p0 $0x1FFFFFF0, s13;
	[sflag:s24] =	ssyncset.done $0x0  }
0x111: {  	s16 =	simm.s32 @!p0 $0x0;
	s15 =	sadd.s32 @!p0 s2, s13;
	[sflag:s24] =	ssyncadd.s32 $0xFFFFC000  }
0x112: {  	[tilespmem:s20], [sflag:$0x2] =	stream.linear.gather @!p0 [hbm4b:s15+s16], $0x80, $0x38;
	[tilespmem:$0x1F500] =	vst v63  }
0x113: {  	s15 =	sadd.s32 @!p0 s4, s13;
	s20 =	simm.s32 @!p0 $0x200  }
0x114: {  	[tilespmem:s20], [sflag:$0x2] =	stream.linear.gather @!p0 [hbm4b:s15+s16], $0x80, $0x38;
	[tilespmem:$0x1F500] =	vst v63  }
0x115: {  	s13 =	sadd.s32 @!p0 s5, s13;
	s15 =	simm.s32 @!p0 $0x280  }
0x116: {  	[tilespmem:s15], [sflag:$0x2] =	stream.linear.gather @!p0 [hbm4b:s13+s16], $0x80, $0x38;
	[tilespmem:$0x1F500] =	vst v63  }
0x117: {  	s13 =	simm.s32 @!p0 $0x1  }
0x118: {  	_ =	swait.ge @!p0 [sflag:s13], $0x80  }
0x119: {  	[sflag:s13] =	ssyncset.done @!p0 $0x0  }
0x11a: {  	[sflag:s13] =	ssyncadd.s32 @!p0 $0xFFFFFF80  }
0x11b: {  	_ =	swait.ge @!p0 [sflag:s13], $0x80  }
0x11c: {  	[sflag:s13] =	ssyncset.done @!p0 $0x0  }
0x11d: {  	[sflag:s13] =	ssyncadd.s32 @!p0 $0xFFFFFF80  }
0x11e: {  	_ =	swait.ge @!p0 [sflag:s13], $0x80  }
0x11f: {  	[sflag:s13] =	ssyncset.done @!p0 $0x0  }
0x120: {  	s15 =	simm.s32 @!p0 $0x300;
	[sflag:s13] =	ssyncadd.s32 @!p0 $0xFFFFFF80;
	s13 =	simm.s32 @!p0 $0x80  }
0x121: {  	[tilespmem:s15], [sflag:$0x3] =	stream.indirect.gather @!p0 [hbm4b:s6+s13], $0x80, s16, s13, $0xb8;
	[tilespmem:$0x1F500] =	vst v63  }
0x122: {  	s15 =	simm.s32 @!p0 $0x4300  }
0x123: {  	[tilespmem:s15], [sflag:$0x3] =	stream.indirect.gather @!p0 [hbm4b:s7+s13], $0x80, s13, s13, $0xb8;
	[tilespmem:$0x1F500] =	vst v63  }
0x124: {  	s16 =	simm.s32 @!p0 $0x8300;
	s15 =	simm.s32 @!p0 $0x100  }
0x125: {  	[tilespmem:s16], [sflag:$0x3] =	stream.indirect.gather @!p0 [hbm4b:s8+s13], $0x80, s15, s13, $0xb8;
	[tilespmem:$0x1F500] =	vst v63  }
0x126: {  	s15 =	sadd.s32 s11, s17  }
0x127: {  	s29 =	sshll.u32 s15, $0x7  }
0x128: {  	_ =	swait.ge [sflag:s12], $0x4000;
	s30 =	smulhi.u32 $0x51EB851F, s29  }
0x129: {  	[sflag:s12] =	ssyncset.done $0x0  }
0x12a: {  	s16 =	simm.s32 $0x0;
	[sflag:s12] =	ssyncadd.s32 $0xFFFFC000;
	s17 =	sshrl.u32 s30, $0x6  }
0x12b: {  	v5 =	vld [tilespmem:s16+$0xC300];
	s17 =	smul.u32 $0xC8, s17  }
0x12c: {  	v6 =	vld [tilespmem:s16+$0x10300]  }
0x12d: {  	s13 =	ssub.s32 s29, s17  }
0x12e: {  	v3 =	vld [tilespmem:s16+$0x14300];
	s17 =	sshll.u32 s13, $0x8  }
0x12f: {  	s17 =	sshra.s32 s17, $0x2  }
0x130: {  	v56 =	vld [tilespmem:s17+$0x1C300]  }
0x131: {  	v5 =	vadd.f32 v6, v5;
	_ =	sdelay $0x1  }
0x132: {  	v3 =	vadd.f32 v3, v5;
	_ =	sdelay $0x1  }
0x133: {  	v57 =	vld [tilespmem:s16+$0x10310];
	v3 =	vadd.f32 v3, v56  }
0x134: {  	v60 =	vld [tilespmem:s16+$0xC310]  }
0x135: {  	v3 =	vmul.f32 $2.500000000e-01, v3  }
0x136: {  	v62 =	vld [tilespmem:s16+$0x14310]  }
0x137: {  	[tilespmem:s16+$0x18300] =	vst v3  }
0x138: {  	v3 =	vld [tilespmem:s17+$0x1C310]  }
0x139: {  	v10 =	vadd.f32 v57, v60;
	_ =	sdelay $0x1  }
0x13a: {  	v10 =	vadd.f32 v62, v10;
	_ =	sdelay $0x1  }
0x13b: {  	v0 =	vld [tilespmem:s16+$0x10320];
	v3 =	vadd.f32 v10, v3  }
0x13c: {  	v2 =	vld [tilespmem:s16+$0xC320]  }
0x13d: {  	v3 =	vmul.f32 $2.500000000e-01, v3  }
0x13e: {  	v63 =	vld [tilespmem:s16+$0x14320]  }
0x13f: {  	[tilespmem:s16+$0x18310] =	vst v3  }
0x140: {  	v3 =	vld [tilespmem:s17+$0x1C320]  }
0x141: {  	v0 =	vadd.f32 v0, v2;
	_ =	sdelay $0x1  }
0x142: {  	v0 =	vadd.f32 v63, v0;
	_ =	sdelay $0x1  }
0x143: {  	v7 =	vld [tilespmem:s16+$0x10330];
	v0 =	vadd.f32 v0, v3  }
0x144: {  	v54 =	vld [tilespmem:s16+$0xC330]  }
0x145: {  	v0 =	vmul.f32 $2.500000000e-01, v0  }
0x146: {  	v2 =	vld [tilespmem:s16+$0x14330]  }
0x147: {  	[tilespmem:s16+$0x18320] =	vst v0  }
0x148: {  	v0 =	vld [tilespmem:s17+$0x1C330]  }
0x149: {  	v3 =	vadd.f32 v7, v54;
	_ =	sdelay $0x1  }
0x14a: {  	v2 =	vadd.f32 v2, v3;
	_ =	sdelay $0x1  }
0x14b: {  	v4 =	vld [tilespmem:s16+$0x10380];
	s17 =	sadd.s32 $0x1, s13;
	v0 =	vadd.f32 v2, v0  }
0x14c: {  	v55 =	vld [tilespmem:s16+$0xC380];
	p0 =	seq.s32 s17, $0xC8  }
0x14d: {  	s17 =	simm.s32 @p0 $0x0;
	v0 =	vmul.f32 $2.500000000e-01, v0  }
0x14e: {  	s31 =	sshll.u32 s17, $0x8;
	v2 =	vld [tilespmem:s16+$0x14380]  }
0x14f: {  	s29 =	sshra.s32 s31, $0x2;
	[tilespmem:s16+$0x18330] =	vst v0  }
0x150: {  	v0 =	vld [tilespmem:s29+$0x1C300]  }
0x151: {  	v3 =	vadd.f32 v4, v55;
	_ =	sdelay $0x1  }
0x152: {  	v2 =	vadd.f32 v2, v3;
	_ =	sdelay $0x1  }
0x153: {  	v6 =	vld [tilespmem:s16+$0xC390];
	v0 =	vadd.f32 v2, v0  }
0x154: {  	v5 =	vld [tilespmem:s16+$0x10390]  }
0x155: {  	v0 =	vmul.f32 $2.500000000e-01, v0  }
0x156: {  	v2 =	vld [tilespmem:s16+$0x14390]  }
0x157: {  	[tilespmem:s16+$0x18380] =	vst v0  }
0x158: {  	v0 =	vld [tilespmem:s29+$0x1C310]  }
0x159: {  	v3 =	vadd.f32 v5, v6;
	_ =	sdelay $0x1  }
0x15a: {  	v2 =	vadd.f32 v2, v3;
	_ =	sdelay $0x1  }
0x15b: {  	v58 =	vld [tilespmem:s16+$0xC3A0];
	v0 =	vadd.f32 v2, v0  }
0x15c: {  	v59 =	vld [tilespmem:s16+$0x103A0]  }
0x15d: {  	v0 =	vmul.f32 $2.500000000e-01, v0  }
0x15e: {  	v2 =	vld [tilespmem:s16+$0x143A0]  }
0x15f: {  	[tilespmem:s16+$0x18390] =	vst v0  }
0x160: {  	v0 =	vld [tilespmem:s29+$0x1C320]  }
0x161: {  	v3 =	vadd.f32 v59, v58;
	_ =	sdelay $0x1  }
0x162: {  	v2 =	vadd.f32 v2, v3  }
0x163: {  	v1 =	vld [tilespmem:s16+$0x103B0]  }
0x164: {  	v61 =	vld [tilespmem:s16+$0xC3B0];
	v0 =	vadd.f32 v2, v0;
	_ =	sdelay $0x1  }
0x165: {  	s13 =	simm.s32 $0x100;
	v3 =	vld [tilespmem:s16+$0x143B0];
	v4 =	vmul.f32 $2.500000000e-01, v0  }
0x166: {  	s17 =	sadd.s32 $0x1, s17;
	v2 =	vld [tilespmem:s13+$0x10320]  }
0x167: {  	p0 =	seq.s32 s17, $0xC8;
	v0 =	vld [tilespmem:s13+$0x103B0];
	[tilespmem:s16+$0x183A0] =	vst v4  }
0x168: {  	s22 =	simm.s32 $0x400;
	s20 =	simm.s32 $0x2;
	v1 =	vadd.f32 v1, v61;
	s17 =	simm.s32 @p0 $0x0;
	v4 =	vld [tilespmem:s29+$0x1C330]  }
.LBB2_5:
0x169: {  	s20 =	sadd.s32 $0x2, s20;
	v5 =	vld [tilespmem:s13+$0xC320]  }
0x16a: {  	p0 =	slt.u32 s20, $0x7E;
	v6 =	vld [tilespmem:s13+$0x14300];
	v1 =	vadd.f32 v3, v1  }
0x16b: {  	v3 =	vld [tilespmem:s13+$0x10380]  }
0x16c: {  	v7 =	vld [tilespmem:s13+$0xC300]  }
0x16d: {  	v8 =	vld [tilespmem:s13+$0x10300];
	v1 =	vadd.f32 v1, v4  }
0x16e: {  	v4 =	vld [tilespmem:s13+$0x10330]  }
0x16f: {  	v9 =	vld [tilespmem:s13+$0xC330];
	v1 =	vmul.f32 $2.500000000e-01, v1  }
0x170: {  	s29 =	sshll.u32 s17, $0x8;
	v10 =	vld [tilespmem:s13+$0xC380]  }
0x171: {  	s29 =	sshra.s32 s29, $0x2;
	v11 =	vld [tilespmem:s13+$0x10310];
	[tilespmem:s16+$0x183B0] =	vst v1;
	s16 =	smov.u32 s13  }
0x172: {  	v2 =	vadd.f32 v2, v5;
	v1 =	vld [tilespmem:s29+$0x1C300];
	v7 =	vadd.f32 v8, v7  }
0x173: {  	v5 =	vld [tilespmem:s16+$0xC390]  }
0x174: {  	v6 =	vadd.f32 v6, v7;
	v4 =	vadd.f32 v4, v9;
	v7 =	vld [tilespmem:s16+$0x10390]  }
0x175: {  	v3 =	vadd.f32 v3, v10;
	v8 =	vld [tilespmem:s16+$0xC3A0]  }
0x176: {  	v9 =	vld [tilespmem:s16+$0x103A0]  }
0x177: {  	v1 =	vadd.f32 v6, v1;
	v6 =	vld [tilespmem:s16+$0xC310]  }
0x178: {  	v10 =	vld [tilespmem:s16+$0xC3B0]  }
0x179: {  	v1 =	vmul.f32 $2.500000000e-01, v1;
	v12 =	vld [tilespmem:s16+$0x14310];
	v5 =	vadd.f32 v7, v5;
	_ =	sdelay $0x1  }
0x17a: {  	[tilespmem:s16+$0x18300] =	vst v1;
	v7 =	vld [tilespmem:s16+$0x14320];
	v8 =	vadd.f32 v9, v8  }
0x17b: {  	v9 =	vld [tilespmem:s29+$0x1C310];
	v6 =	vadd.f32 v11, v6  }
0x17c: {  	v1 =	vadd.f32 v0, v10  }
0x17d: {  	v0 =	vadd.f32 v12, v6;
	_ =	sdelay $0x2  }
0x17e: {  	v2 =	vadd.f32 v7, v2;
	v0 =	vadd.f32 v0, v9;
	_ =	sdelay $0x1  }
0x17f: {  	v0 =	vmul.f32 $2.500000000e-01, v0;
	_ =	sdelay $0x1  }
0x180: {  	[tilespmem:s16+$0x18310] =	vst v0;
	v0 =	vld [tilespmem:s16+$0x14330]  }
0x181: {  	v6 =	vld [tilespmem:s29+$0x1C320];
	_ =	sdelay $0x4  }
0x182: {  	v0 =	vadd.f32 v0, v4;
	v2 =	vadd.f32 v2, v6;
	_ =	sdelay $0x1  }
0x183: {  	v2 =	vmul.f32 $2.500000000e-01, v2;
	_ =	sdelay $0x1  }
0x184: {  	[tilespmem:s16+$0x18320] =	vst v2  }
0x185: {  	v2 =	vld [tilespmem:s29+$0x1C330];
	_ =	sdelay $0x4  }
0x186: {  	s13 =	sadd.s32 $0x1, s17;
	v0 =	vadd.f32 v0, v2  }
0x187: {  	p1 =	seq.s32 s13, $0xC8  }
0x188: {  	s13 =	simm.s32 @p1 $0x0;
	v0 =	vmul.f32 $2.500000000e-01, v0;
	v2 =	vld [tilespmem:s16+$0x14380]  }
0x189: {  	s17 =	sadd.s32 $0x1, s13;
	s29 =	sshll.u32 s13, $0x8  }
0x18a: {  	p1 =	seq.s32 s17, $0xC8;
	s29 =	sshra.s32 s29, $0x2;
	[tilespmem:s16+$0x18330] =	vst v0  }
0x18b: {  	s17 =	simm.s32 @p1 $0x0;
	v0 =	vld [tilespmem:s29+$0x1C300];
	_ =	sdelay $0x1  }
0x18c: {  	v2 =	vadd.f32 v2, v3;
	_ =	sdelay $0x2  }
0x18d: {  	v0 =	vadd.f32 v2, v0;
	_ =	sdelay $0x1  }
0x18e: {  	v0 =	vmul.f32 $2.500000000e-01, v0;
	v2 =	vld [tilespmem:s16+$0x14390];
	_ =	sdelay $0x1  }
0x18f: {  	[tilespmem:s16+$0x18380] =	vst v0  }
0x190: {  	v0 =	vld [tilespmem:s29+$0x1C310];
	_ =	sdelay $0x1  }
0x191: {  	v2 =	vadd.f32 v2, v5;
	_ =	sdelay $0x2  }
0x192: {  	v0 =	vadd.f32 v2, v0;
	_ =	sdelay $0x1  }
0x193: {  	v0 =	vmul.f32 $2.500000000e-01, v0;
	v2 =	vld [tilespmem:s16+$0x143A0];
	_ =	sdelay $0x1  }
0x194: {  	[tilespmem:s16+$0x18390] =	vst v0  }
0x195: {  	v0 =	vld [tilespmem:s29+$0x1C320];
	_ =	sdelay $0x1  }
0x196: {  	v2 =	vadd.f32 v2, v8;
	_ =	sdelay $0x2  }
0x197: {  	v0 =	vadd.f32 v2, v0  }
.Ltmp1:
0x198: {  	s22 =	sadd.s32 $0x400, s22;
	(pc) =	sbr.rel @p0 .LBB2_5-.Ltmp1, $4  }
0x199: {  	s13 =	sshra.s32 s22, $0x2;
	v4 =	vmul.f32 $2.500000000e-01, v0;
	v3 =	vld [tilespmem:s16+$0x143B0]  }
0x19a: {  	v0 =	vld [tilespmem:s13+$0x103B0]  }
0x19b: {  	v2 =	vld [tilespmem:s13+$0x10320];
	[tilespmem:s16+$0x183A0] =	vst v4  }
0x19c: {  	v4 =	vld [tilespmem:s29+$0x1C330]  }
0x19d: {  	v5 =	vld [tilespmem:s13+$0xC320]  }
0x19e: {  	v6 =	vld [tilespmem:s13+$0x14300]  }
0x19f: {  	v7 =	vld [tilespmem:s13+$0x10380];
	v1 =	vadd.f32 v3, v1  }
0x1a0: {  	v49 =	vld [tilespmem:s13+$0xC300]  }
0x1a1: {  	v8 =	vld [tilespmem:s13+$0x10300];
	v1 =	vadd.f32 v1, v4  }
0x1a2: {  	v50 =	vld [tilespmem:s13+$0x10330]  }
0x1a3: {  	v9 =	vld [tilespmem:s13+$0xC330];
	v1 =	vmul.f32 $2.500000000e-01, v1  }
0x1a4: {  	v10 =	vld [tilespmem:s13+$0xC380];
	s20 =	sshll.u32 s17, $0x8  }
0x1a5: {  	v11 =	vld [tilespmem:s13+$0x10310];
	s20 =	sshra.s32 s20, $0x2;
	[tilespmem:s16+$0x183B0] =	vst v1  }
0x1a6: {  	v1 =	vld [tilespmem:s20+$0x1C300]  }
0x1a7: {  	v3 =	vadd.f32 v8, v49;
	_ =	sdelay $0x1  }
0x1a8: {  	v3 =	vadd.f32 v6, v3;
	_ =	sdelay $0x1  }
0x1a9: {  	v1 =	vadd.f32 v3, v1  }
0x1aa: {  	v53 =	vld [tilespmem:s13+$0xC310]  }
0x1ab: {  	v1 =	vmul.f32 $2.500000000e-01, v1  }
0x1ac: {  	v15 =	vld [tilespmem:s13+$0x14310]  }
0x1ad: {  	[tilespmem:s13+$0x18300] =	vst v1  }
0x1ae: {  	v1 =	vld [tilespmem:s20+$0x1C310]  }
0x1af: {  	v3 =	vadd.f32 v11, v53;
	_ =	sdelay $0x1  }
0x1b0: {  	v3 =	vadd.f32 v15, v3;
	_ =	sdelay $0x1  }
0x1b1: {  	v1 =	vadd.f32 v3, v1;
	_ =	sdelay $0x1  }
0x1b2: {  	v1 =	vmul.f32 $2.500000000e-01, v1  }
0x1b3: {  	v54 =	vld [tilespmem:s13+$0x14320]  }
0x1b4: {  	[tilespmem:s13+$0x18310] =	vst v1  }
0x1b5: {  	v1 =	vld [tilespmem:s20+$0x1C320]  }
0x1b6: {  	v2 =	vadd.f32 v2, v5;
	_ =	sdelay $0x1  }
0x1b7: {  	v2 =	vadd.f32 v54, v2;
	_ =	sdelay $0x1  }
0x1b8: {  	v1 =	vadd.f32 v2, v1;
	_ =	sdelay $0x1  }
0x1b9: {  	v1 =	vmul.f32 $2.500000000e-01, v1  }
0x1ba: {  	v55 =	vld [tilespmem:s13+$0x14330]  }
0x1bb: {  	[tilespmem:s13+$0x18320] =	vst v1  }
0x1bc: {  	v1 =	vld [tilespmem:s20+$0x1C330]  }
0x1bd: {  	v56 =	vadd.f32 v50, v9;
	_ =	sdelay $0x1  }
0x1be: {  	v2 =	vadd.f32 v55, v56;
	_ =	sdelay $0x1  }
0x1bf: {  	s16 =	sadd.s32 $0x1, s17;
	v1 =	vadd.f32 v2, v1  }
0x1c0: {  	p0 =	seq.s32 s16, $0xC8  }
0x1c1: {  	s16 =	simm.s32 @p0 $0x0;
	v1 =	vmul.f32 $2.500000000e-01, v1  }
0x1c2: {  	v57 =	vld [tilespmem:s13+$0x14380];
	s16 =	sshll.u32 s16, $0x8  }
0x1c3: {  	s16 =	sshra.s32 s16, $0x2;
	[tilespmem:s13+$0x18330] =	vst v1  }
0x1c4: {  	v1 =	vld [tilespmem:s16+$0x1C300]  }
0x1c5: {  	v58 =	vadd.f32 v7, v10;
	_ =	sdelay $0x1  }
0x1c6: {  	v2 =	vadd.f32 v57, v58;
	_ =	sdelay $0x1  }
0x1c7: {  	v51 =	vld [tilespmem:s13+$0xC390];
	v1 =	vadd.f32 v2, v1  }
0x1c8: {  	v52 =	vld [tilespmem:s13+$0x10390]  }
0x1c9: {  	v1 =	vmul.f32 $2.500000000e-01, v1  }
0x1ca: {  	v59 =	vld [tilespmem:s13+$0x14390]  }
0x1cb: {  	[tilespmem:s13+$0x18380] =	vst v1  }
0x1cc: {  	v1 =	vld [tilespmem:s16+$0x1C310]  }
0x1cd: {  	v60 =	vadd.f32 v52, v51;
	_ =	sdelay $0x1  }
0x1ce: {  	v2 =	vadd.f32 v59, v60;
	_ =	sdelay $0x1  }
0x1cf: {  	v12 =	vld [tilespmem:s13+$0xC3A0];
	v1 =	vadd.f32 v2, v1  }
0x1d0: {  	v13 =	vld [tilespmem:s13+$0x103A0]  }
0x1d1: {  	v1 =	vmul.f32 $2.500000000e-01, v1  }
0x1d2: {  	v61 =	vld [tilespmem:s13+$0x143A0]  }
0x1d3: {  	[tilespmem:s13+$0x18390] =	vst v1  }
0x1d4: {  	v1 =	vld [tilespmem:s16+$0x1C320]  }
0x1d5: {  	v62 =	vadd.f32 v13, v12;
	_ =	sdelay $0x1  }
0x1d6: {  	v2 =	vadd.f32 v61, v62;
	_ =	sdelay $0x1  }
0x1d7: {  	v1 =	vadd.f32 v2, v1  }
0x1d8: {  	v14 =	vld [tilespmem:s13+$0xC3B0]  }
0x1d9: {  	v1 =	vmul.f32 $2.500000000e-01, v1  }
0x1da: {  	v63 =	vld [tilespmem:s13+$0x143B0]  }
0x1db: {  	[tilespmem:s13+$0x183A0] =	vst v1  }
0x1dc: {  	v1 =	vld [tilespmem:s16+$0x1C330]  }
0x1dd: {  	v0 =	vadd.f32 v0, v14;
	_ =	sdelay $0x1  }
0x1de: {  	v0 =	vadd.f32 v63, v0  }
0x1df: {  	s14 =	sadd.s32 $0x1, s14  }
0x1e0: {  	p0 =	sne.s32 s14, $0x64;
	v0 =	vadd.f32 v0, v1  }
.Ltmp2:
0x1e1: {  	_ = 	snop;
	(pc) =	sbr.rel @p0 .LBB2_2-.Ltmp2, $4  }
0x1e2: {  	s15 =	sshll.u32 s15, $0xB;
	v0 =	vmul.f32 $2.500000000e-01, v0  }
0x1e3: {  	s15 =	sand.u32 $0x1FFFF800, s15  }
0x1e4: {  	s31 =	sadd.s32 s10, s15;
	[tilespmem:s13+$0x183B0] =	vst v0  }
0x1e5: {  	[hbm4b:s31+s1] =	stream.linear.scatter [tilespmem:s9], [sflag:$0x5], $0x4000, $0x38;
	[tilespmem:$0x1F500] =	vst v63  }
0x1e6: {  	_ =	swait.ge [sflag:s12], $0x4000  }
0x1e7: {  	s14 =	rddreg [dreg:$0xa]  }
0x1e8: {  	s13 =	rddreg [dreg:$0x9];
	s14 =	sadd.s32 $0x1, s14  }
0x1e9: {  	p0 =	sne.s32 s14, s13  }
.Ltmp3:
0x1ea: {  	_ = 	snop;
	(pc) =	sbr.rel @p0 .LBB2_1-.Ltmp3, $3  }
0x1eb: {  	_ =	sdelay $0x1  }
0x1ec: {  	[sflag:s12] =	ssyncset.done $0x0  }
0x1ed: {  	[sflag:s12] =	ssyncadd.s32 $0xFFFFC000  }
0x1ee: {  	_ =	sfence.sel $0x180000  }
0x1ef: {  	[bflag:$0x0] =	sbarrier.arrive $0xFFFF  }
0x1f0: {  	_ =	strace $0x90000047  }
0x1f1: {  	s0 =	stileid.u32;
	[bflag:$0x2] =	sbarrier.arrive $0xFFFF  }
0x1f2: {  	p0 =	sne.s32 s0, $0x0;
	s0 =	rddreg [dreg:$0x1]  }
0x1f3: {  	s0 =	sadd.s32 @!p0 $0x100000, s0  }
0x1f4: {  	[sflag:s0] =	ssyncadd.tile.s32 @!p0 $0x1;
	_ =	shalt  }
.Lfunc_end2:
_tile_overlayer_lowered:
.L_overlay_start_2:
0x1f5: {  	(tag) =	ssettag $0x2  }
0x1f6: {  	s0 =	rddreg [dreg:$0x0];
	s2 =	stileid.u32  }
0x1f7: {  	s1 =	rddreg [dreg:$0x1];
	p0 =	sne.s32 s2, $0x0  }
0x1f8: {  	s3 =	rddreg [dreg:$0x2];
	[bflag:$0x3] =	sbarrier.arrive $0xFFFF;
	s2 =	simm.s32 @!p0 $0x1C06  }
0x1f9: {  	[timem:s3], [sflag:s2] =	dma.local @!p0 [hbm:s0], s1  }
0x1fa: {  	s0 =	simm.s32 @!p0 $0x6  }
0x1fb: {  	_ =	swait.ge @!p0 [sflag:s0], s1  }
0x1fc: {  	s1 =	ssub.s32 @!p0 $0x0, s1;
	[sflag:s0] =	ssyncset.done @!p0 $0x0  }
0x1fd: {  	[sflag:s0] =	ssyncadd.s32 @!p0 s1  }
0x1fe: {  	[bflag:$0x3] =	sbarrier.arrive $0xFFFF  }
0x1ff: {  	_ =	shalt  }

// kernel: sparse-core-data-format-call.cloned.1.call-start
scs
called_computation_lowered:
.L_overlay_start_0:
0x0: {  	s2 =	sld [smem:$0x3FD9]  }
0x1: {  	s3 =	sld [smem:$0x3FFE];
	_ =	sdelay $0x1  }
0x2: {  	s1 =	srdreg.scid  }
0x3: {  	s0 =	sand.u32 $0x1, s1  }
0x4: {  	s18 =	sshll.u32 s0, $0xA;
	s2 =	sadd.s32 s3, s2  }
0x5: {  	s2 =	sadd.s32 s2, s18  }
0x6: {  	[smem:$0x3FC1] =	sst s2  }
0x7: {  	_ = 	snop  }
0x8: {  	s2 =	sld [smem:$0x3FD0];
	(tm) =	ssettm $0x1  }
0x9: {  	s19 =	sld [smem:$0x3FFB];
	_ =	sdelay $0x3  }
0xa: {  	_ =	strace s19  }
0xb: {  	s3 =	sld [smem:$0x3FFC];
	_ =	sdelay $0x3  }
0xc: {  	_ =	strace s3  }
0xd: {  	s3 =	sld [smem:$0x3FFD];
	_ =	sdelay $0x3  }
0xe: {  	_ =	strace s3  }
0xf: {  	_ =	strace $0x8FFFFFFF  }
0x10: {  	s20 =	sld [smem:$0x3FDB];
	_ =	sdelay $0x1  }
0x11: {  	s4 =	simm.s32 $_scs_section_size  }
0x12: {  	s5 =	simm.s32 $_size__tile_overlayer_lowered;
	s6 =	simm.s32 $_tile_overlayer_lowered  }
0x13: {  	s23 =	simm.s32 $0x1BFF;
	s22 =	sshll.u32 s6, $0x1;
	s3 =	sadd.s32 s4, s20  }
0x14: {  	s7 =	simm.s32 $0x0;
	s21 =	sshll.u32 s5, $0x1;
	s5 =	sadd.s32 s22, s3  }
0x15: {  	[timem:s7], [sflag:s23] =	dma.local [hbm:s5], s21  }
0x16: {  	_ =	swait.ge [sflag:s23], s21  }
0x17: {  	s4 =	ssub.s32 $0x0, s21;
	[sflag:s23] =	ssyncset.done $0x0  }
0x18: {  	[sflag:s23] =	ssyncadd.s32 s4;
	_ =	sdelay $0x1  }
0x19: {  	s24 =	simm.s32 $0x1B8B  }
0x1a: {  	_ =	swait.ge [sflag:s24], $0x1  }
0x1b: {  	[sflag:s24] =	ssyncset.done $0x0  }
0x1c: {  	s26 =	simm.s32 $0x1B8E;
	s25 =	sld [smem:$0x3FFE];
	[sflag:s24] =	ssyncadd.s32 $0xFFFFFFFF  }
0x1d: {  	s27 =	simm.s32 $execute0_lowered;
	[smem:$0x3FD2] =	sst s26  }
0x1e: {  	s5 =	sshll.u32 s27, $0x1;
	_ =	strace $0x80000049;
	[dreg:$0x1] =	wrdreg $0xFFFFFFFF  }
0x1f: {  	s28 =	simm.s32 $_size_execute0_lowered;
	s3 =	sadd.s32 s3, s5;
	[dreg:$0x0] =	wrdreg $0x0  }
0x20: {  	s5 =	sshll.u32 s28, $0x1;
	[dreg:$0x2] =	wrdreg s3  }
0x21: {  	[dreg:$0x3] =	wrdreg s5  }
0x22: {  	[dreg:$0x4] =	wrdreg $0xC0  }
0x23: {  	_ =	task [dreg:s7], $0x5FFFF  }
0x24: {  	[dreg:$0x1] =	wrdreg $0xFFFFFFFF  }
0x25: {  	[dreg:$0x0] =	wrdreg $0x60  }
0x26: {  	[dreg:$0x2] =	wrdreg s25  }
0x27: {  	[dreg:$0x3] =	wrdreg s2  }
0x28: {  	[dreg:$0x4] =	wrdreg $0x9  }
0x29: {  	_ =	task.clear_ibuf [dreg:s7], $0x5FFFF;
	_ =	strace $0x90000049  }
0x2a: {  	s29 =	simm.s32 $0x9;
	_ =	strace $0x8000004B  }
0x2b: {  	_ =	swait.ge [sflag:s29], $0x1  }
0x2c: {  	[sflag:s29] =	ssyncadd.s32 $0xFFFFFFFF  }
0x2d: {  	_ =	strace $0x9000004B  }
0x2e: {  	_ =	sfence  }
0x2f: {  	s30 =	sld [smem:$0x0];
	_ =	sdelay $0x2  }
0x30: {  	s31 =	sshll.u32 s1, $0xD;
	s1 =	sshrl.u32 s1, $0x2  }
0x31: {  	s3 =	sand.u32 $0x4000, s31;
	s1 =	sadd.s32 s1, s30  }
0x32: {  	s0 =	sor.u32 s3, s0;
	s1 =	sshll.u32 s1, $0x11  }
0x33: {  	s0 =	sor.u32 s1, s0  }
0x34: {  	s0 =	sadd.s32 $0x8F2B, s0  }
0x35: {  	[sflag:s0] =	ssyncadd.remote.s32 $0x1  }
0x36: {  	_ =	sfence.sel $0xFFFF  }
0x37: {  	[dreg:$0x0] =	wrdreg $0xFFFFFFFF;
	(pc) =	sbr.abs _section_cstart, $3  }
0x38: {  	[dreg:$0x1] =	wrdreg $0xFFFFFFFF  }
0x39: {  	_ =	task.clear_ibuf [dreg:s7], $0x2FFFF;
	_ =	strace $0x9FFFFFFF  }
0x3a: {  	(tm) =	ssettm $0x7FFFFFFF  }
0x3b: {  	_ =	shalt  }
tec
execute0_lowered:
.L_overlay_start_1:
0x0: {  	(tag) =	ssettag $0x1  }
0x1: {  	s0 =	srdreg.scid  }
0x2: {  	s1 =	sshll.u32 s0, $0x4  }
0x3: {  	s0 =	stileid.u32;
	s1 =	sand.u32 $0x10, s1  }
0x4: {  	s1 =	sor.u32 s0, s1  }
0x5: {  	s6 =	rddreg [dreg:$0x0];
	s4 =	simm.s32 $0x1;
	s2 =	sshll.u32 s1, $0x7  }
0x6: {  	s7 =	simm.s32 $0x2;
	s12 =	simm.s32 $0x0;
	s1 =	ssub.s32 $0x1000, s2  }
0x7: {  	s8 =	simm.s32 $0x8000;
	s13 =	simm.s32 $0x0;
	s3 =	sand.u32 $0xF80, s1  }
0x8: {  	s9 =	simm.s32 $0x0;
	s5 =	sshrl.u32 s1, $0xC;
	p0 =	sne.s32 s3, $0x0  }
.Ltmp0:
0x9: {  	s1 =	rddreg [dreg:$0x2];
	s4 =	simm.s32 @!p0 $0x0;
	(pc) =	sbr.rel .LBB1_1-.Ltmp0, $4  }
0xa: {  	s11 =	simm.s32 $0x0;
	s3 =	rddreg [dreg:$0x1];
	s5 =	sadd.s32 s4, s5  }
0xb: {  	_ =	strace $0x8000004A;
	s4 =	simm.s32 $0x1;
	s5 =	smul.u32 $0xC8, s5  }
0xc: {  	s6 =	sadd.s32 $0x1DB200, s6;
	s10 =	smov.u32 s2;
	[sflag:s4] =	ssyncpa.u1 $0x0  }
0xd: {  	p0 =	por $0x0, $0x0;
	[sflag:s7] =	ssyncpa.u1 $0x0;
	s7 =	sor.u32 $0x1, s5  }
.LBB1_4:
0xe: {  	s16 =	sshll.u32 s13, $0x3;
	s17 =	sand.u32 $0x78, s13  }
0xf: {  	s30 =	sand.u32 $0x7E00, s13;
	s12 =	sshll.u32 s12, $0xF;
	s16 =	sand.u32 $0xC00, s16  }
0x10: {  	[tilespmem:s15+$0x810 ss:$0x81] =	vst.msk $0xffff, v2;
	s31 =	sand.u32 $0x7, s13;
	s16 =	sor.u32 s17, s16;
	s17 =	sadd.s32 s3, s30  }
0x11: {  	[tilespmem:s15+$0x1020 ss:$0x81] =	vst.msk $0xffff, v0;
	s13 =	sshll.u32 s31, $0x12;
	s12 =	sadd.s32 s12, s17;
	s16 =	sshrl.u32 s16, $0x3  }
0x12: {  	[tilespmem:s15+$0x0 ss:$0x81] =	vst.msk $0xffff, v1;
	s13 =	sor.u32 $0x400, s13;
	s12 =	sadd.s32 s16, s12  }
0x13: {  	[hbm4b:s12+s13] =	stream.strided.scatter [tilespmem:s14], [sflag:$0x2], $0x2000, s8, s13, $0x20;
	[tilespmem:$0x8080] =	vst v63  }
.LBB1_5:
0x14: {  	s14 =	sadd.s32 $0x1, s9  }
0x15: {  	s12 =	sadd.s32 $0x1000, s10;
	s16 =	smov.u32 s10;
	p2 =	sgt.s32 s14, $0xC7  }
0x16: {  	s16 =	smov.u32 @p2 s12  }
0x17: {  	s14 =	simm.s32 @p2 $0x0;
	p2 =	sgt.s32 s16, $0xFFF  }
0x18: {  	s16 =	smov.u32 @p2 s2;
	p2 =	sne.s32 s11, s7  }
.Ltmp1:
0x19: {  	p1 =	slt.u32 s11, $0x2;
	(pc) =	sbr.rel @!p2 .LBB1_6-.Ltmp1, $4  }
0x1a: {  	s15 =	simm.s32 @!p1 $0x2  }
0x1b: {  	s13 =	smov.u32 s10;
	p0 =	por !p0, !p0;
	_ =	swait.ge @!p1 [sflag:s15], $0x2000  }
0x1c: {  	s12 =	smov.u32 s9;
	[sflag:s15] =	ssyncset.done @!p1 $0x0;
	s9 =	smov.u32 s14  }
0x1d: {  	s11 =	sadd.s32 $0x1, s11;
	[sflag:s15] =	ssyncadd.s32 @!p1 $0xFFFFE000;
	s10 =	smov.u32 s16  }
.LBB1_1:
0x1e: {  	p1 =	sge.u32 s11, s5  }
0x1f: {  	s14 =	sand.u32 @!p1 $0x1FFFFFF, s9  }
0x20: {  	s15 =	smulhi.u32 @!p1 $0x147AE15, s14;
	_ =	sdelay $0x1  }
0x21: {  	s15 =	smul.u32 @!p1 $0xC8, s15  }
0x22: {  	s16 =	sxor.u32 @!p1 $0xFFFFFFFF, s11;
	s17 =	smul.u32 @!p1 $0xC80, s10  }
0x23: {  	s31 =	sadd.s32 $0xFFFFFFFF, s11;
	s16 =	sshll.u32 @!p1 s16, $0xD;
	s14 =	ssub.s32 @!p1 s14, s15  }
0x24: {  	s15 =	sand.u32 @!p1 $0x2000, s16;
	s16 =	sadd.s32 @!p1 s6, s17;
	s14 =	sshll.u32 @!p1 s14, $0x4  }
0x25: {  	s17 =	simm.s32 @!p1 $0x6400;
	s14 =	sadd.s32 @!p1 s14, s16;
	s16 =	simm.s32 @!p1 $0x40  }
0x26: {  	[tilespmem:s15], [sflag:$0x1] =	stream.strided.gather @!p1 [hbm4b:s14+s16], $0x2000, s17, s16, $0x38;
	[tilespmem:$0x8080] =	vst v63  }
0x27: {  	p1 =	sge.u32 s31, s5  }
.Ltmp2:
0x28: {  	_ = 	snop;
	(pc) =	sbr.rel @p1 .LBB1_5-.Ltmp2, $1  }
0x29: {  	_ =	sdelay $0x3  }
0x2a: {  	s14 =	simm.s32 $0x1  }
0x2b: {  	_ =	swait.ge [sflag:s4], $0x2000;
	s14 =	simm.s32 @!p0 $0x0  }
0x2c: {  	[sflag:s4] =	ssyncset.done $0x0;
	s15 =	sshll.u32 s14, $0xD  }
0x2d: {  	[sflag:s4] =	ssyncadd.s32 $0xFFFFE000;
	s18 =	sor.u32 $0x20, s15  }
0x2e: {  	s14 =	smul.u32 $0x8100, s14;
	v3 =	vld [tilespmem:s18+$0x10]  }
0x2f: {  	s30 =	sand.u32 $0x1, s11;
	v2 =	vld [tilespmem:s18+$0xFFFFFFF0]  }
0x30: {  	s15 =	smul.u32 $0x8100, s30;
	s14 =	sshrl.u32 s14, $0x2;
	v0 =	vld [tilespmem:s18+$0x0]  }
0x31: {  	v1 =	vld [tilespmem:s18+$0xFFFFFFE0];
	s16 =	sor.u32 $0x4000, s14  }
0x32: {  	s31 =	sshrl.u32 s15, $0x2;
	s15 =	sadd.s32 $0x0, s16  }
0x33: {  	s17 =	simm.s32 $0x4;
	s18 =	sadd.s32 $0x40, s18;
	s14 =	sor.u32 $0x4000, s31;
	[tilespmem:s15+$0x1830 ss:$0x81] =	vst.msk $0xffff, v3  }
.LBB1_3:
0x34: {  	v3 =	vld [tilespmem:s18+$0x10];
	p1 =	sne.s32 s17, $0x1FC;
	[tilespmem:s15+$0x810 ss:$0x81] =	vst.msk $0xffff, v2;
	s19 =	smov.u32 s17;
	s17 =	sadd.s32 $0x4, s17  }
.Ltmp3:
0x35: {  	v2 =	vld [tilespmem:s18+$0xFFFFFFF0];
	[tilespmem:s15+$0x1020 ss:$0x81] =	vst.msk $0xffff, v0;
	(pc) =	sbr.rel @p1 .LBB1_3-.Ltmp3, $4  }
0x36: {  	v0 =	vld [tilespmem:s18+$0x0];
	[tilespmem:s15+$0x0 ss:$0x81] =	vst.msk $0xffff, v1  }
0x37: {  	s15 =	sshra.s32 s19, $0x2;
	v1 =	vld [tilespmem:s18+$0xFFFFFFE0]  }
0x38: {  	s15 =	sadd.s32 s15, s16  }
0x39: {  	s18 =	sadd.s32 $0x40, s18;
	[tilespmem:s15+$0x1830 ss:$0x81] =	vst.msk $0xffff, v3  }
.Ltmp4:
0x3a: {  	_ = 	snop;
	(pc) =	sbr.rel .LBB1_4-.Ltmp4, $1  }
0x3b: {  	_ =	sdelay $0x3  }
.LBB1_6:
0x3c: {  	_ =	sfence.sel $0x180000  }
0x3d: {  	s2 =	simm.s32 $0x1;
	[bflag:$0x0] =	sbarrier.arrive $0xFFFF  }
0x3e: {  	s31 =	simm.s32 $0x2;
	[sflag:s2] =	ssyncpa.u1 $0x1  }
0x3f: {  	[sflag:s31] =	ssyncpa.u1 $0x1  }
0x40: {  	p0 =	sne.s32 s0, $0x0;
	_ =	strace $0x9000004A  }
0x41: {  	s0 =	sadd.s32 @!p0 $0x100000, s1;
	[bflag:$0x2] =	sbarrier.arrive $0xFFFF  }
0x42: {  	[sflag:s0] =	ssyncadd.tile.s32 @!p0 $0x1;
	_ =	shalt  }
.Lfunc_end1:
_tile_overlayer_lowered:
.L_overlay_start_2:
0x43: {  	(tag) =	ssettag $0x2  }
0x44: {  	s0 =	rddreg [dreg:$0x0];
	s2 =	stileid.u32  }
0x45: {  	s1 =	rddreg [dreg:$0x1];
	p0 =	sne.s32 s2, $0x0  }
0x46: {  	s3 =	rddreg [dreg:$0x2];
	[bflag:$0x3] =	sbarrier.arrive $0xFFFF;
	s2 =	simm.s32 @!p0 $0x1C01  }
0x47: {  	[timem:s3], [sflag:s2] =	dma.local @!p0 [hbm:s0], s1  }
0x48: {  	s0 =	simm.s32 @!p0 $0x1  }
0x49: {  	_ =	swait.ge @!p0 [sflag:s0], s1  }
0x4a: {  	s1 =	ssub.s32 @!p0 $0x0, s1;
	[sflag:s0] =	ssyncset.done @!p0 $0x0  }
0x4b: {  	[sflag:s0] =	ssyncadd.s32 @!p0 s1  }
0x4c: {  	[bflag:$0x3] =	sbarrier.arrive $0xFFFF  }
0x4d: {  	_ =	shalt  }

</sc_bundles>
